<compile_context>
chip_gen: v7x
topology: tpu7x:2x2x1
jax: 0.10.2.dev20260603
libtpu: 0.0.44.dev20260713+nightly
codegen_flags: <defaults>
</compile_context>

<pallas_src>
import jax
import jax.numpy as jnp
from jax import lax
from jax.experimental import pallas as pl
from jax.experimental.pallas import tpu as pltpu
from jax.experimental.pallas import tpu_sc as plsc

_NX, _NY, _NZ = 100, 100, 10
_N_PMT = 128
_N_TRACK = 16384

_NC, _NS, _L = 2, 16, 16
_NW = _NC * _NS
_PTS = _N_TRACK // _NW
_CHUNK = 64
_NCHUNK = _PTS // _CHUNK
_NREG = _N_PMT // _L
_GRP = _CHUNK // _L
_NBUF = 6


def _sc_body(track_hbm, vis_hbm, out_hbm,
             track_v, vox_v, buf_v, acc_v,
             sem_t, sem0, sem1, sem2, sem3, sem4, sem5):
    cid = lax.axis_index("c")
    sid = lax.axis_index("s")
    wid = sid * _NC + cid
    base = wid * _PTS

    tcopies = [pltpu.async_copy(track_hbm.at[c, pl.ds(base, _PTS)],
                                track_v.at[c], sem_t) for c in range(4)]
    for cp in tcopies:
        cp.wait()

    sems = (sem0, sem1, sem2, sem3, sem4, sem5)

    @pl.loop(0, _PTS // _L)
    def _(i):
        off = i * _L
        x = track_v[0, pl.ds(off, _L)]
        y = track_v[1, pl.ds(off, _L)]
        z = track_v[2, pl.ds(off, _L)]
        ix = jnp.clip((x * float(_NX)).astype(jnp.int32), 0, _NX - 1)
        iy = jnp.clip((y * float(_NY)).astype(jnp.int32), 0, _NY - 1)
        iz = jnp.clip((z * float(_NZ)).astype(jnp.int32), 0, _NZ - 1)
        vox = ix * (_NY * _NZ) + iy * _NZ + iz
        vox_v[i // _GRP, pl.ds((i % _GRP) * _L, _L)] = vox

    copies = []
    for g in range(min(_NBUF, _NCHUNK)):
        copies.append(pltpu.async_copy(
            vis_hbm.at[vox_v.at[g]], buf_v.at[g], sems[g]))

    accs = tuple(jnp.zeros((_L,), jnp.float32) for _ in range(_NREG))
    col3 = jnp.full((_L,), 3, jnp.int32)
    for g in range(_NCHUNK):
        b = g % _NBUF
        copies[g].wait()

        def row_body(i, a, g=g, b=b):
            qv = plsc.load_gather(
                track_v, [col3, jnp.full((_L,), g * _CHUNK, jnp.int32) + i])
            return tuple(a[j] + buf_v[b, i, pl.ds(j * _L, _L)] * qv
                         for j in range(_NREG))

        accs = lax.fori_loop(0, _CHUNK, row_body, accs)
        ng = g + _NBUF
        if ng < _NCHUNK:
            copies.append(pltpu.async_copy(
                vis_hbm.at[vox_v.at[ng]], buf_v.at[b], sems[b]))

    for j in range(_NREG):
        acc_v[pl.ds(j * _L, _L)] = accs[j]
    pltpu.sync_copy(acc_v, out_hbm.at[wid])


_sc_call = pl.kernel(
    _sc_body,
    out_type=jax.ShapeDtypeStruct((_NW, _N_PMT), jnp.float32),
    mesh=plsc.VectorSubcoreMesh(core_axis_name="c", subcore_axis_name="s"),
    compiler_params=pltpu.CompilerParams(needs_layout_passes=False),
    scratch_types=[
        pltpu.VMEM((4, _PTS), jnp.float32),
        pltpu.VMEM((_NCHUNK, _CHUNK), jnp.int32),
        pltpu.VMEM((_NBUF, _CHUNK, _N_PMT), jnp.float32),
        pltpu.VMEM((_N_PMT,), jnp.float32),
        pltpu.SemaphoreType.DMA,
        pltpu.SemaphoreType.DMA,
        pltpu.SemaphoreType.DMA,
        pltpu.SemaphoreType.DMA,
        pltpu.SemaphoreType.DMA,
        pltpu.SemaphoreType.DMA,
        pltpu.SemaphoreType.DMA,
    ],
)


def kernel(track, vis_table, dx):
    del dx
    partials = _sc_call(track.T, vis_table)
    return jnp.sum(partials, axis=0)

# --- scband reference (transcript-rebuilt; emitter-appended) ---
"""Pipeline reference for scband-flash-hypothesis-3590592659742 (READ-ONLY COPY).

The authoritative reference and input builder live on the scoring server;
editing this copy changes nothing except your own understanding.
"""

import jax, jax.numpy as jnp
import numpy as np

NX, NY, NZ = 100, 100, 10
N_PMT = 128
N_TRACK = 16384
RANGES = np.array([[0.0, 1.0], [0.0, 1.0], [0.0, 1.0]], dtype=np.float32)


def setup_inputs(seed: int = 0) -> dict:
    key = jax.random.key(seed)
    k1, k2, k3 = jax.random.split(key, 3)
    # track: 3D position (inside the detector volume ranges) + charge
    pos = jax.random.uniform(k1, (N_TRACK, 3), dtype=jnp.float32, minval=0.001, maxval=0.999)
    q = jax.random.uniform(k2, (N_TRACK, 1), dtype=jnp.float32)
    track = jnp.concatenate([pos, q], axis=-1)
    # PhotonLib visibility table: one row per voxel, one column per PMT
    vis_table = jax.random.uniform(k3, (NX * NY * NZ, N_PMT), dtype=jnp.float32) * 1e-3
    # learned x-shift parameter, initialized to 0 as in the torch module
    dx = jnp.zeros((1,), dtype=jnp.float32)
    return {"track": track, "vis_table": vis_table, "dx": dx}


def _voxel_ids(pos):
    # digitize 3D positions into flat voxel indices (PhotonLib.visibility lookup)
    shape = jnp.array([NX, NY, NZ], dtype=jnp.float32)
    lo = jnp.asarray(RANGES[:, 0])
    hi = jnp.asarray(RANGES[:, 1])
    idx = jnp.floor((pos - lo) / (hi - lo) * shape).astype(jnp.int32)
    idx = jnp.clip(idx, 0, jnp.array([NX - 1, NY - 1, NZ - 1], dtype=jnp.int32))
    return idx[:, 0] * (NY * NZ) + idx[:, 1] * NZ + idx[:, 2]


def reference(track, vis_table, dx):
    # dx_range: clamp dx so the shifted track stays inside the volume
    dx_min = RANGES[0, 0] - jnp.min(track[:, 0])
    dx_max = RANGES[0, 1] - jnp.max(track[:, 0])
    dx_c = jnp.clip(dx, dx_min, dx_max)
    shift = jnp.concatenate([dx_c, jnp.zeros(3, dtype=track.dtype)], axis=-1)
    shifted_track = track + shift[None, :]
    # visibility lookup: gather per-point rows from the voxel table
    vox = _voxel_ids(shifted_track[:, :3])
    vis = jnp.take(vis_table, vox, axis=0)          # [N_TRACK, N_PMT]
    # pe_v = sum_i vis(x_i) * q_i  -> hypothesized p.e. per PMT
    pe_v = jnp.sum(vis * shifted_track[:, 3:4], axis=0)  # [N_PMT]
    return pe_v

if __name__ == "__main__":
    import jax
    _d = setup_inputs()
    print(jax.jit(kernel)(*tuple(_d.values())))

</pallas_src>

<mosaic_0001>
#map = affine_map<(d0, d1) -> (0, 0)>
module attributes {stable_mosaic.version = 14 : i64} {
  func.func @_sc_body(%arg0: i32, %arg1: i32, %arg2: memref<4x16384xf32, #tpu.memory_space<hbm>>, %arg3: memref<100000x128xf32, #tpu.memory_space<hbm>>, %arg4: memref<32x128xf32, #tpu.memory_space<hbm>>, %arg5: memref<4x512xf32, #tpu.memory_space<vmem>>, %arg6: memref<8x64xi32, #tpu.memory_space<vmem>>, %arg7: memref<6x64x128xf32, #tpu.memory_space<vmem>>, %arg8: memref<128xf32, #tpu.memory_space<vmem>>, %arg9: memref<!tpu.dma_semaphore, #tpu.memory_space<semaphore_mem>>, %arg10: memref<!tpu.dma_semaphore, #tpu.memory_space<semaphore_mem>>, %arg11: memref<!tpu.dma_semaphore, #tpu.memory_space<semaphore_mem>>, %arg12: memref<!tpu.dma_semaphore, #tpu.memory_space<semaphore_mem>>, %arg13: memref<!tpu.dma_semaphore, #tpu.memory_space<semaphore_mem>>, %arg14: memref<!tpu.dma_semaphore, #tpu.memory_space<semaphore_mem>>, %arg15: memref<!tpu.dma_semaphore, #tpu.memory_space<semaphore_mem>>) attributes {dimension_semantics = [#tpu.dimension_semantics<core_parallel>, #tpu.dimension_semantics<subcore_parallel>], iteration_bounds = array<i64: 2, 16>, scalar_prefetch = 0 : i64, scratch_operands = 11 : i64, tpu.core_type = #tpu.core_type<sc_vector_subcore>, window_params = [{transform_indices = #map}, {transform_indices = #map}, {transform_indices = #map}]} {
    %mul3A = arith.constant 2 : i32
    %mul3A_0 = arith.muli %arg1, %mul3A : i32
    %add3A = arith.addi %mul3A_0, %arg0 : i32
    %mul3A_1 = arith.constant 512 : i32
    %mul3A_2 = arith.muli %add3A, %mul3A_1 : i32
    %dma_start3A = arith.constant 0 : i32
    %dma_start3A_3 = arith.constant 0 : i32
    %dma_start3A_4 = arith.constant 0 : i32
    %dma_start3A_5 = tpu.memref_slice %arg5[%dma_start3A_3, %dma_start3A_4] : memref<4x512xf32, #tpu.memory_space<vmem>> -> memref<1x512xf32, #tpu.memory_space<vmem>>
    %dma_start3A_6 = tpu.memref_squeeze %dma_start3A_5 : memref<1x512xf32, #tpu.memory_space<vmem>> -> memref<512xf32, #tpu.memory_space<vmem>>
    %dma_start3A_7 = tpu.memref_slice %arg2[%dma_start3A, %mul3A_2] : memref<4x16384xf32, #tpu.memory_space<hbm>> -> memref<1x512xf32, #tpu.memory_space<hbm>>
    %dma_start3A_8 = tpu.memref_squeeze %dma_start3A_7 : memref<1x512xf32, #tpu.memory_space<hbm>> -> memref<512xf32, #tpu.memory_space<hbm>>
    %dma_start3A_9 = arith.constant 0 : i32
    %dma_start3A_10 = tpu.memref_slice %arg5[%dma_start3A_3, %dma_start3A_9] : memref<4x512xf32, #tpu.memory_space<vmem>> -> memref<1x512xf32, #tpu.memory_space<vmem>>
    %dma_start3A_11 = tpu.memref_squeeze %dma_start3A_10 : memref<1x512xf32, #tpu.memory_space<vmem>> -> memref<512xf32, #tpu.memory_space<vmem>>
    %dma_start3A_12 = tpu.memref_slice %arg2[%dma_start3A, %mul3A_2] : memref<4x16384xf32, #tpu.memory_space<hbm>> -> memref<1x512xf32, #tpu.memory_space<hbm>>
    %dma_start3A_13 = tpu.memref_squeeze %dma_start3A_12 : memref<1x512xf32, #tpu.memory_space<hbm>> -> memref<512xf32, #tpu.memory_space<hbm>>
    tpu.enqueue_dma source(%dma_start3A_13 : memref<512xf32, #tpu.memory_space<hbm>>) target(%dma_start3A_11 : memref<512xf32, #tpu.memory_space<vmem>>) target_semaphore(%arg9 : memref<!tpu.dma_semaphore, #tpu.memory_space<semaphore_mem>>)
    %dma_start3A_14 = arith.constant 1 : i32
    %dma_start3A_15 = arith.constant 1 : i32
    %dma_start3A_16 = arith.constant 0 : i32
    %dma_start3A_17 = tpu.memref_slice %arg5[%dma_start3A_15, %dma_start3A_16] : memref<4x512xf32, #tpu.memory_space<vmem>> -> memref<1x512xf32, #tpu.memory_space<vmem>>
    %dma_start3A_18 = tpu.memref_squeeze %dma_start3A_17 : memref<1x512xf32, #tpu.memory_space<vmem>> -> memref<512xf32, #tpu.memory_space<vmem>>
    %dma_start3A_19 = tpu.memref_slice %arg2[%dma_start3A_14, %mul3A_2] : memref<4x16384xf32, #tpu.memory_space<hbm>> -> memref<1x512xf32, #tpu.memory_space<hbm>>
    %dma_start3A_20 = tpu.memref_squeeze %dma_start3A_19 : memref<1x512xf32, #tpu.memory_space<hbm>> -> memref<512xf32, #tpu.memory_space<hbm>>
    %dma_start3A_21 = arith.constant 0 : i32
    %dma_start3A_22 = tpu.memref_slice %arg5[%dma_start3A_15, %dma_start3A_21] : memref<4x512xf32, #tpu.memory_space<vmem>> -> memref<1x512xf32, #tpu.memory_space<vmem>>
    %dma_start3A_23 = tpu.memref_squeeze %dma_start3A_22 : memref<1x512xf32, #tpu.memory_space<vmem>> -> memref<512xf32, #tpu.memory_space<vmem>>
    %dma_start3A_24 = tpu.memref_slice %arg2[%dma_start3A_14, %mul3A_2] : memref<4x16384xf32, #tpu.memory_space<hbm>> -> memref<1x512xf32, #tpu.memory_space<hbm>>
    %dma_start3A_25 = tpu.memref_squeeze %dma_start3A_24 : memref<1x512xf32, #tpu.memory_space<hbm>> -> memref<512xf32, #tpu.memory_space<hbm>>
    tpu.enqueue_dma source(%dma_start3A_25 : memref<512xf32, #tpu.memory_space<hbm>>) target(%dma_start3A_23 : memref<512xf32, #tpu.memory_space<vmem>>) target_semaphore(%arg9 : memref<!tpu.dma_semaphore, #tpu.memory_space<semaphore_mem>>)
    %dma_start3A_26 = arith.constant 2 : i32
    %dma_start3A_27 = arith.constant 2 : i32
    %dma_start3A_28 = arith.constant 0 : i32
    %dma_start3A_29 = tpu.memref_slice %arg5[%dma_start3A_27, %dma_start3A_28] : memref<4x512xf32, #tpu.memory_space<vmem>> -> memref<1x512xf32, #tpu.memory_space<vmem>>
    %dma_start3A_30 = tpu.memref_squeeze %dma_start3A_29 : memref<1x512xf32, #tpu.memory_space<vmem>> -> memref<512xf32, #tpu.memory_space<vmem>>
    %dma_start3A_31 = tpu.memref_slice %arg2[%dma_start3A_26, %mul3A_2] : memref<4x16384xf32, #tpu.memory_space<hbm>> -> memref<1x512xf32, #tpu.memory_space<hbm>>
    %dma_start3A_32 = tpu.memref_squeeze %dma_start3A_31 : memref<1x512xf32, #tpu.memory_space<hbm>> -> memref<512xf32, #tpu.memory_space<hbm>>
    %dma_start3A_33 = arith.constant 0 : i32
    %dma_start3A_34 = tpu.memref_slice %arg5[%dma_start3A_27, %dma_start3A_33] : memref<4x512xf32, #tpu.memory_space<vmem>> -> memref<1x512xf32, #tpu.memory_space<vmem>>
    %dma_start3A_35 = tpu.memref_squeeze %dma_start3A_34 : memref<1x512xf32, #tpu.memory_space<vmem>> -> memref<512xf32, #tpu.memory_space<vmem>>
    %dma_start3A_36 = tpu.memref_slice %arg2[%dma_start3A_26, %mul3A_2] : memref<4x16384xf32, #tpu.memory_space<hbm>> -> memref<1x512xf32, #tpu.memory_space<hbm>>
    %dma_start3A_37 = tpu.memref_squeeze %dma_start3A_36 : memref<1x512xf32, #tpu.memory_space<hbm>> -> memref<512xf32, #tpu.memory_space<hbm>>
    tpu.enqueue_dma source(%dma_start3A_37 : memref<512xf32, #tpu.memory_space<hbm>>) target(%dma_start3A_35 : memref<512xf32, #tpu.memory_space<vmem>>) target_semaphore(%arg9 : memref<!tpu.dma_semaphore, #tpu.memory_space<semaphore_mem>>)
    %dma_start3A_38 = arith.constant 3 : i32
    %dma_start3A_39 = arith.constant 3 : i32
    %dma_start3A_40 = arith.constant 0 : i32
    %dma_start3A_41 = tpu.memref_slice %arg5[%dma_start3A_39, %dma_start3A_40] : memref<4x512xf32, #tpu.memory_space<vmem>> -> memref<1x512xf32, #tpu.memory_space<vmem>>
    %dma_start3A_42 = tpu.memref_squeeze %dma_start3A_41 : memref<1x512xf32, #tpu.memory_space<vmem>> -> memref<512xf32, #tpu.memory_space<vmem>>
    %dma_start3A_43 = tpu.memref_slice %arg2[%dma_start3A_38, %mul3A_2] : memref<4x16384xf32, #tpu.memory_space<hbm>> -> memref<1x512xf32, #tpu.memory_space<hbm>>
    %dma_start3A_44 = tpu.memref_squeeze %dma_start3A_43 : memref<1x512xf32, #tpu.memory_space<hbm>> -> memref<512xf32, #tpu.memory_space<hbm>>
    %dma_start3A_45 = arith.constant 0 : i32
    %dma_start3A_46 = tpu.memref_slice %arg5[%dma_start3A_39, %dma_start3A_45] : memref<4x512xf32, #tpu.memory_space<vmem>> -> memref<1x512xf32, #tpu.memory_space<vmem>>
    %dma_start3A_47 = tpu.memref_squeeze %dma_start3A_46 : memref<1x512xf32, #tpu.memory_space<vmem>> -> memref<512xf32, #tpu.memory_space<vmem>>
    %dma_start3A_48 = tpu.memref_slice %arg2[%dma_start3A_38, %mul3A_2] : memref<4x16384xf32, #tpu.memory_space<hbm>> -> memref<1x512xf32, #tpu.memory_space<hbm>>
    %dma_start3A_49 = tpu.memref_squeeze %dma_start3A_48 : memref<1x512xf32, #tpu.memory_space<hbm>> -> memref<512xf32, #tpu.memory_space<hbm>>
    tpu.enqueue_dma source(%dma_start3A_49 : memref<512xf32, #tpu.memory_space<hbm>>) target(%dma_start3A_47 : memref<512xf32, #tpu.memory_space<vmem>>) target_semaphore(%arg9 : memref<!tpu.dma_semaphore, #tpu.memory_space<semaphore_mem>>)
    %dma_wait3A = arith.constant 0 : i32
    %dma_wait3A_50 = arith.constant 0 : i32
    %dma_wait3A_51 = arith.constant 0 : i32
    %dma_wait3A_52 = tpu.memref_slice %arg5[%dma_wait3A_50, %dma_wait3A_51] : memref<4x512xf32, #tpu.memory_space<vmem>> -> memref<1x512xf32, #tpu.memory_space<vmem>>
    %dma_wait3A_53 = tpu.memref_squeeze %dma_wait3A_52 : memref<1x512xf32, #tpu.memory_space<vmem>> -> memref<512xf32, #tpu.memory_space<vmem>>
    %dma_wait3A_54 = tpu.memref_slice %arg2[%dma_wait3A, %mul3A_2] : memref<4x16384xf32, #tpu.memory_space<hbm>> -> memref<1x512xf32, #tpu.memory_space<hbm>>
    %dma_wait3A_55 = tpu.memref_squeeze %dma_wait3A_54 : memref<1x512xf32, #tpu.memory_space<hbm>> -> memref<512xf32, #tpu.memory_space<hbm>>
    %dma_wait3A_56 = arith.constant 0 : i32
    %dma_wait3A_57 = tpu.memref_slice %arg5[%dma_wait3A_50, %dma_wait3A_56] : memref<4x512xf32, #tpu.memory_space<vmem>> -> memref<1x512xf32, #tpu.memory_space<vmem>>
    %dma_wait3A_58 = tpu.memref_squeeze %dma_wait3A_57 : memref<1x512xf32, #tpu.memory_space<vmem>> -> memref<512xf32, #tpu.memory_space<vmem>>
    %dma_wait3A_59 = tpu.memref_slice %arg2[%dma_wait3A, %mul3A_2] : memref<4x16384xf32, #tpu.memory_space<hbm>> -> memref<1x512xf32, #tpu.memory_space<hbm>>
    %dma_wait3A_60 = tpu.memref_squeeze %dma_wait3A_59 : memref<1x512xf32, #tpu.memory_space<hbm>> -> memref<512xf32, #tpu.memory_space<hbm>>
    tpu.wait_dma2 semaphore(%arg9 : memref<!tpu.dma_semaphore, #tpu.memory_space<semaphore_mem>>) src(%dma_wait3A_60 : memref<512xf32, #tpu.memory_space<hbm>>) dst(%dma_wait3A_58 : memref<512xf32, #tpu.memory_space<vmem>>)
    %dma_wait3A_61 = arith.constant 1 : i32
    %dma_wait3A_62 = arith.constant 1 : i32
    %dma_wait3A_63 = arith.constant 0 : i32
    %dma_wait3A_64 = tpu.memref_slice %arg5[%dma_wait3A_62, %dma_wait3A_63] : memref<4x512xf32, #tpu.memory_space<vmem>> -> memref<1x512xf32, #tpu.memory_space<vmem>>
    %dma_wait3A_65 = tpu.memref_squeeze %dma_wait3A_64 : memref<1x512xf32, #tpu.memory_space<vmem>> -> memref<512xf32, #tpu.memory_space<vmem>>
    %dma_wait3A_66 = tpu.memref_slice %arg2[%dma_wait3A_61, %mul3A_2] : memref<4x16384xf32, #tpu.memory_space<hbm>> -> memref<1x512xf32, #tpu.memory_space<hbm>>
    %dma_wait3A_67 = tpu.memref_squeeze %dma_wait3A_66 : memref<1x512xf32, #tpu.memory_space<hbm>> -> memref<512xf32, #tpu.memory_space<hbm>>
    %dma_wait3A_68 = arith.constant 0 : i32
    %dma_wait3A_69 = tpu.memref_slice %arg5[%dma_wait3A_62, %dma_wait3A_68] : memref<4x512xf32, #tpu.memory_space<vmem>> -> memref<1x512xf32, #tpu.memory_space<vmem>>
    %dma_wait3A_70 = tpu.memref_squeeze %dma_wait3A_69 : memref<1x512xf32, #tpu.memory_space<vmem>> -> memref<512xf32, #tpu.memory_space<vmem>>
    %dma_wait3A_71 = tpu.memref_slice %arg2[%dma_wait3A_61, %mul3A_2] : memref<4x16384xf32, #tpu.memory_space<hbm>> -> memref<1x512xf32, #tpu.memory_space<hbm>>
    %dma_wait3A_72 = tpu.memref_squeeze %dma_wait3A_71 : memref<1x512xf32, #tpu.memory_space<hbm>> -> memref<512xf32, #tpu.memory_space<hbm>>
    tpu.wait_dma2 semaphore(%arg9 : memref<!tpu.dma_semaphore, #tpu.memory_space<semaphore_mem>>) src(%dma_wait3A_72 : memref<512xf32, #tpu.memory_space<hbm>>) dst(%dma_wait3A_70 : memref<512xf32, #tpu.memory_space<vmem>>)
    %dma_wait3A_73 = arith.constant 2 : i32
    %dma_wait3A_74 = arith.constant 2 : i32
    %dma_wait3A_75 = arith.constant 0 : i32
    %dma_wait3A_76 = tpu.memref_slice %arg5[%dma_wait3A_74, %dma_wait3A_75] : memref<4x512xf32, #tpu.memory_space<vmem>> -> memref<1x512xf32, #tpu.memory_space<vmem>>
    %dma_wait3A_77 = tpu.memref_squeeze %dma_wait3A_76 : memref<1x512xf32, #tpu.memory_space<vmem>> -> memref<512xf32, #tpu.memory_space<vmem>>
    %dma_wait3A_78 = tpu.memref_slice %arg2[%dma_wait3A_73, %mul3A_2] : memref<4x16384xf32, #tpu.memory_space<hbm>> -> memref<1x512xf32, #tpu.memory_space<hbm>>
    %dma_wait3A_79 = tpu.memref_squeeze %dma_wait3A_78 : memref<1x512xf32, #tpu.memory_space<hbm>> -> memref<512xf32, #tpu.memory_space<hbm>>
    %dma_wait3A_80 = arith.constant 0 : i32
    %dma_wait3A_81 = tpu.memref_slice %arg5[%dma_wait3A_74, %dma_wait3A_80] : memref<4x512xf32, #tpu.memory_space<vmem>> -> memref<1x512xf32, #tpu.memory_space<vmem>>
    %dma_wait3A_82 = tpu.memref_squeeze %dma_wait3A_81 : memref<1x512xf32, #tpu.memory_space<vmem>> -> memref<512xf32, #tpu.memory_space<vmem>>
    %dma_wait3A_83 = tpu.memref_slice %arg2[%dma_wait3A_73, %mul3A_2] : memref<4x16384xf32, #tpu.memory_space<hbm>> -> memref<1x512xf32, #tpu.memory_space<hbm>>
    %dma_wait3A_84 = tpu.memref_squeeze %dma_wait3A_83 : memref<1x512xf32, #tpu.memory_space<hbm>> -> memref<512xf32, #tpu.memory_space<hbm>>
    tpu.wait_dma2 semaphore(%arg9 : memref<!tpu.dma_semaphore, #tpu.memory_space<semaphore_mem>>) src(%dma_wait3A_84 : memref<512xf32, #tpu.memory_space<hbm>>) dst(%dma_wait3A_82 : memref<512xf32, #tpu.memory_space<vmem>>)
    %dma_wait3A_85 = arith.constant 3 : i32
    %dma_wait3A_86 = arith.constant 3 : i32
    %dma_wait3A_87 = arith.constant 0 : i32
    %dma_wait3A_88 = tpu.memref_slice %arg5[%dma_wait3A_86, %dma_wait3A_87] : memref<4x512xf32, #tpu.memory_space<vmem>> -> memref<1x512xf32, #tpu.memory_space<vmem>>
    %dma_wait3A_89 = tpu.memref_squeeze %dma_wait3A_88 : memref<1x512xf32, #tpu.memory_space<vmem>> -> memref<512xf32, #tpu.memory_space<vmem>>
    %dma_wait3A_90 = tpu.memref_slice %arg2[%dma_wait3A_85, %mul3A_2] : memref<4x16384xf32, #tpu.memory_space<hbm>> -> memref<1x512xf32, #tpu.memory_space<hbm>>
    %dma_wait3A_91 = tpu.memref_squeeze %dma_wait3A_90 : memref<1x512xf32, #tpu.memory_space<hbm>> -> memref<512xf32, #tpu.memory_space<hbm>>
    %dma_wait3A_92 = arith.constant 0 : i32
    %dma_wait3A_93 = tpu.memref_slice %arg5[%dma_wait3A_86, %dma_wait3A_92] : memref<4x512xf32, #tpu.memory_space<vmem>> -> memref<1x512xf32, #tpu.memory_space<vmem>>
    %dma_wait3A_94 = tpu.memref_squeeze %dma_wait3A_93 : memref<1x512xf32, #tpu.memory_space<vmem>> -> memref<512xf32, #tpu.memory_space<vmem>>
    %dma_wait3A_95 = tpu.memref_slice %arg2[%dma_wait3A_85, %mul3A_2] : memref<4x16384xf32, #tpu.memory_space<hbm>> -> memref<1x512xf32, #tpu.memory_space<hbm>>
    %dma_wait3A_96 = tpu.memref_squeeze %dma_wait3A_95 : memref<1x512xf32, #tpu.memory_space<hbm>> -> memref<512xf32, #tpu.memory_space<hbm>>
    tpu.wait_dma2 semaphore(%arg9 : memref<!tpu.dma_semaphore, #tpu.memory_space<semaphore_mem>>) src(%dma_wait3A_96 : memref<512xf32, #tpu.memory_space<hbm>>) dst(%dma_wait3A_94 : memref<512xf32, #tpu.memory_space<vmem>>)
    %scan3A = arith.constant 0 : i32
    %scan3A_97 = arith.constant 32 : i32
    %scan3A_98 = arith.addi %scan3A, %scan3A_97 : i32
    %scan3A_99 = arith.constant 1 : i32
    scf.for %scan3A_373 = %scan3A to %scan3A_98 step %scan3A_99  : i32 {
      %mul3A_374 = arith.constant 1 : i32
      %mul3A_375 = arith.muli %scan3A_373, %mul3A_374 : i32
      %add3A_376 = arith.constant 0 : i32
      %add3A_377 = arith.addi %add3A_376, %mul3A_375 : i32
      %mul3A_378 = arith.constant 16 : i32
      %mul3A_379 = arith.muli %add3A_377, %mul3A_378 : i32
      %get3A = arith.constant 0 : i32
      %get3A_380 = arith.index_cast %get3A : i32 to index
      %get3A_381 = arith.index_cast %mul3A_379 : i32 to index
      %get3A_382 = tpu.vector_load %arg5[%get3A_380, %get3A_381] {strides = array<i32>} : memref<4x512xf32, #tpu.memory_space<vmem>>, vector<16xf32>,
      %get3A_383 = arith.constant 1 : i32
      %get3A_384 = arith.index_cast %get3A_383 : i32 to index
      %get3A_385 = arith.index_cast %mul3A_379 : i32 to index
      %get3A_386 = tpu.vector_load %arg5[%get3A_384, %get3A_385] {strides = array<i32>} : memref<4x512xf32, #tpu.memory_space<vmem>>, vector<16xf32>,
      %get3A_387 = arith.constant 2 : i32
      %get3A_388 = arith.index_cast %get3A_387 : i32 to index
      %get3A_389 = arith.index_cast %mul3A_379 : i32 to index
      %get3A_390 = tpu.vector_load %arg5[%get3A_388, %get3A_389] {strides = array<i32>} : memref<4x512xf32, #tpu.memory_space<vmem>>, vector<16xf32>,
      %mul3A_391 = arith.constant 1.000000e+02 : f32
      %mul3A_392 = vector.broadcast %mul3A_391 : f32 to vector<16xf32>
      %mul3A_393 = arith.mulf %get3A_382, %mul3A_392 : vector<16xf32>
      %convert_element_type3A = arith.fptosi %mul3A_393 : vector<16xf32> to vector<16xi32>
      %jit3A = arith.constant 0 : i32
      %jit3A_394 = arith.constant 99 : i32
      %max3A = vector.broadcast %jit3A : i32 to vector<16xi32>
      %max3A_395 = arith.maxsi %max3A, %convert_element_type3A : vector<16xi32>
      %min3A = vector.broadcast %jit3A_394 : i32 to vector<16xi32>
      %min3A_396 = arith.minsi %min3A, %max3A_395 : vector<16xi32>
      %mul3A_397 = arith.constant 1.000000e+02 : f32
      %mul3A_398 = vector.broadcast %mul3A_397 : f32 to vector<16xf32>
      %mul3A_399 = arith.mulf %get3A_386, %mul3A_398 : vector<16xf32>
      %convert_element_type3A_400 = arith.fptosi %mul3A_399 : vector<16xf32> to vector<16xi32>
      %jit3A_401 = arith.constant 0 : i32
      %jit3A_402 = arith.constant 99 : i32
      %max3A_403 = vector.broadcast %jit3A_401 : i32 to vector<16xi32>
      %max3A_404 = arith.maxsi %max3A_403, %convert_element_type3A_400 : vector<16xi32>
      %min3A_405 = vector.broadcast %jit3A_402 : i32 to vector<16xi32>
      %min3A_406 = arith.minsi %min3A_405, %max3A_404 : vector<16xi32>
      %mul3A_407 = arith.constant 1.000000e+01 : f32
      %mul3A_408 = vector.broadcast %mul3A_407 : f32 to vector<16xf32>
      %mul3A_409 = arith.mulf %get3A_390, %mul3A_408 : vector<16xf32>
      %convert_element_type3A_410 = arith.fptosi %mul3A_409 : vector<16xf32> to vector<16xi32>
      %jit3A_411 = arith.constant 0 : i32
      %jit3A_412 = arith.constant 9 : i32
      %max3A_413 = vector.broadcast %jit3A_411 : i32 to vector<16xi32>
      %max3A_414 = arith.maxsi %max3A_413, %convert_element_type3A_410 : vector<16xi32>
      %min3A_415 = vector.broadcast %jit3A_412 : i32 to vector<16xi32>
      %min3A_416 = arith.minsi %min3A_415, %max3A_414 : vector<16xi32>
      %mul3A_417 = arith.constant 1000 : i32
      %mul3A_418 = vector.broadcast %mul3A_417 : i32 to vector<16xi32>
      %mul3A_419 = arith.muli %min3A_396, %mul3A_418 : vector<16xi32>
      %mul3A_420 = arith.constant 10 : i32
      %mul3A_421 = vector.broadcast %mul3A_420 : i32 to vector<16xi32>
      %mul3A_422 = arith.muli %min3A_406, %mul3A_421 : vector<16xi32>
      %add3A_423 = arith.addi %mul3A_419, %mul3A_422 : vector<16xi32>
      %add3A_424 = arith.addi %add3A_423, %min3A_416 : vector<16xi32>
      %jit3A_425 = arith.constant 4 : i32
      %div3A = arith.divsi %add3A_377, %jit3A_425 : i32
      %sign3A = arith.constant 0 : i32
      %sign3A_426 = arith.cmpi sgt, %add3A_377, %sign3A : i32
      %sign3A_427 = arith.extui %sign3A_426 : i1 to i32
      %sign3A_428 = arith.constant 0 : i32
      %sign3A_429 = arith.cmpi slt, %add3A_377, %sign3A_428 : i32
      %sign3A_430 = arith.extui %sign3A_429 : i1 to i32
      %sign3A_431 = arith.subi %sign3A_427, %sign3A_430 : i32
      %sign3A_432 = arith.constant 0 : i32
      %sign3A_433 = arith.cmpi sgt, %jit3A_425, %sign3A_432 : i32
      %sign3A_434 = arith.extui %sign3A_433 : i1 to i32
      %sign3A_435 = arith.constant 0 : i32
      %sign3A_436 = arith.cmpi slt, %jit3A_425, %sign3A_435 : i32
      %sign3A_437 = arith.extui %sign3A_436 : i1 to i32
      %sign3A_438 = arith.subi %sign3A_434, %sign3A_437 : i32
      %ne3A = arith.cmpi ne, %sign3A_431, %sign3A_438 : i32
      %rem3A = arith.remsi %add3A_377, %jit3A_425 : i32
      %ne3A_439 = arith.constant 0 : i32
      %ne3A_440 = arith.cmpi ne, %rem3A, %ne3A_439 : i32
      %and3A = arith.andi %ne3A, %ne3A_440 : i1
      %sub3A = arith.constant 1 : i32
      %sub3A_441 = arith.subi %div3A, %sub3A : i32
      %select_n3A = arith.select %and3A, %sub3A_441, %div3A : i32
      %jit3A_442 = arith.constant 4 : i32
      %eq3A = arith.constant 0 : i32
      %eq3A_443 = arith.cmpi eq, %jit3A_442, %eq3A : i32
      %jit3A_444 = arith.constant 1 : i32
      %select_n3A_445 = arith.select %eq3A_443, %jit3A_444, %jit3A_442 : i32
      %rem3A_446 = arith.remsi %add3A_377, %select_n3A_445 : i32
      %ne3A_447 = arith.constant 0 : i32
      %ne3A_448 = arith.cmpi ne, %rem3A_446, %ne3A_447 : i32
      %lt3A = arith.constant 0 : i32
      %lt3A_449 = arith.cmpi slt, %rem3A_446, %lt3A : i32
      %lt3A_450 = arith.constant 0 : i32
      %lt3A_451 = arith.cmpi slt, %select_n3A_445, %lt3A_450 : i32
      %ne3A_452 = arith.xori %lt3A_449, %lt3A_451 : i1
      %and3A_453 = arith.andi %ne3A_452, %ne3A_448 : i1
      %add3A_454 = arith.addi %rem3A_446, %select_n3A_445 : i32
      %select_n3A_455 = arith.select %and3A_453, %add3A_454, %rem3A_446 : i32
      %mul3A_456 = arith.constant 16 : i32
      %mul3A_457 = arith.muli %select_n3A_455, %mul3A_456 : i32
      %swap3A_458 = arith.index_cast %select_n3A : i32 to index
      %swap3A_459 = arith.index_cast %mul3A_457 : i32 to index
      %swap3A_460 = tpu.vector_load %arg6[%swap3A_458, %swap3A_459] {strides = array<i32>} : memref<8x64xi32, #tpu.memory_space<vmem>>, vector<16xi32>,
      tpu.vector_store %arg6[%swap3A_458, %swap3A_459], %add3A_424 {strides = array<i32>} : memref<8x64xi32, #tpu.memory_space<vmem>>, vector<16xi32>,
    }
    %scan3A_100 = arith.constant 32 : i32
    %dma_start3A_101 = arith.constant 0 : i32
    %dma_start3A_102 = arith.constant 0 : i32
    %dma_start3A_103 = arith.constant 0 : i32
    %dma_start3A_104 = arith.constant 0 : i32
    %dma_start3A_105 = tpu.memref_slice %arg7[%dma_start3A_102, %dma_start3A_103, %dma_start3A_104] : memref<6x64x128xf32, #tpu.memory_space<vmem>> -> memref<1x64x128xf32, #tpu.memory_space<vmem>>
    %dma_start3A_106 = tpu.memref_squeeze %dma_start3A_105 : memref<1x64x128xf32, #tpu.memory_space<vmem>> -> memref<64x128xf32, #tpu.memory_space<vmem>>
    %dma_start3A_107 = arith.constant 0 : i32
    %dma_start3A_108 = tpu.memref_slice %arg6[%dma_start3A_101, %dma_start3A_107] : memref<8x64xi32, #tpu.memory_space<vmem>> -> memref<1x64xi32, #tpu.memory_space<vmem>>
    %dma_start3A_109 = tpu.memref_squeeze %dma_start3A_108 : memref<1x64xi32, #tpu.memory_space<vmem>> -> memref<64xi32, #tpu.memory_space<vmem>>
    %dma_start3A_110 = arith.constant 0 : i32
    %dma_start3A_111 = arith.constant 0 : i32
    %dma_start3A_112 = tpu.memref_slice %arg3[%dma_start3A_110, %dma_start3A_111] : memref<100000x128xf32, #tpu.memory_space<hbm>> -> memref<100000x128xf32, #tpu.memory_space<hbm>>
    tpu.enqueue_indirect_dma source(%dma_start3A_112 : memref<100000x128xf32, #tpu.memory_space<hbm>>) target(%dma_start3A_106 : memref<64x128xf32, #tpu.memory_space<vmem>>) offsets(%dma_start3A_109 : memref<64xi32, #tpu.memory_space<vmem>>) semaphore(%arg10 : memref<!tpu.dma_semaphore, #tpu.memory_space<semaphore_mem>>)
    %dma_start3A_113 = arith.constant 1 : i32
    %dma_start3A_114 = arith.constant 1 : i32
    %dma_start3A_115 = arith.constant 0 : i32
    %dma_start3A_116 = arith.constant 0 : i32
    %dma_start3A_117 = tpu.memref_slice %arg7[%dma_start3A_114, %dma_start3A_115, %dma_start3A_116] : memref<6x64x128xf32, #tpu.memory_space<vmem>> -> memref<1x64x128xf32, #tpu.memory_space<vmem>>
    %dma_start3A_118 = tpu.memref_squeeze %dma_start3A_117 : memref<1x64x128xf32, #tpu.memory_space<vmem>> -> memref<64x128xf32, #tpu.memory_space<vmem>>
    %dma_start3A_119 = arith.constant 0 : i32
    %dma_start3A_120 = tpu.memref_slice %arg6[%dma_start3A_113, %dma_start3A_119] : memref<8x64xi32, #tpu.memory_space<vmem>> -> memref<1x64xi32, #tpu.memory_space<vmem>>
    %dma_start3A_121 = tpu.memref_squeeze %dma_start3A_120 : memref<1x64xi32, #tpu.memory_space<vmem>> -> memref<64xi32, #tpu.memory_space<vmem>>
    %dma_start3A_122 = arith.constant 0 : i32
    %dma_start3A_123 = arith.constant 0 : i32
    %dma_start3A_124 = tpu.memref_slice %arg3[%dma_start3A_122, %dma_start3A_123] : memref<100000x128xf32, #tpu.memory_space<hbm>> -> memref<100000x128xf32, #tpu.memory_space<hbm>>
    tpu.enqueue_indirect_dma source(%dma_start3A_124 : memref<100000x128xf32, #tpu.memory_space<hbm>>) target(%dma_start3A_118 : memref<64x128xf32, #tpu.memory_space<vmem>>) offsets(%dma_start3A_121 : memref<64xi32, #tpu.memory_space<vmem>>) semaphore(%arg11 : memref<!tpu.dma_semaphore, #tpu.memory_space<semaphore_mem>>)
    %dma_start3A_125 = arith.constant 2 : i32
    %dma_start3A_126 = arith.constant 2 : i32
    %dma_start3A_127 = arith.constant 0 : i32
    %dma_start3A_128 = arith.constant 0 : i32
    %dma_start3A_129 = tpu.memref_slice %arg7[%dma_start3A_126, %dma_start3A_127, %dma_start3A_128] : memref<6x64x128xf32, #tpu.memory_space<vmem>> -> memref<1x64x128xf32, #tpu.memory_space<vmem>>
    %dma_start3A_130 = tpu.memref_squeeze %dma_start3A_129 : memref<1x64x128xf32, #tpu.memory_space<vmem>> -> memref<64x128xf32, #tpu.memory_space<vmem>>
    %dma_start3A_131 = arith.constant 0 : i32
    %dma_start3A_132 = tpu.memref_slice %arg6[%dma_start3A_125, %dma_start3A_131] : memref<8x64xi32, #tpu.memory_space<vmem>> -> memref<1x64xi32, #tpu.memory_space<vmem>>
    %dma_start3A_133 = tpu.memref_squeeze %dma_start3A_132 : memref<1x64xi32, #tpu.memory_space<vmem>> -> memref<64xi32, #tpu.memory_space<vmem>>
    %dma_start3A_134 = arith.constant 0 : i32
    %dma_start3A_135 = arith.constant 0 : i32
    %dma_start3A_136 = tpu.memref_slice %arg3[%dma_start3A_134, %dma_start3A_135] : memref<100000x128xf32, #tpu.memory_space<hbm>> -> memref<100000x128xf32, #tpu.memory_space<hbm>>
    tpu.enqueue_indirect_dma source(%dma_start3A_136 : memref<100000x128xf32, #tpu.memory_space<hbm>>) target(%dma_start3A_130 : memref<64x128xf32, #tpu.memory_space<vmem>>) offsets(%dma_start3A_133 : memref<64xi32, #tpu.memory_space<vmem>>) semaphore(%arg12 : memref<!tpu.dma_semaphore, #tpu.memory_space<semaphore_mem>>)
    %dma_start3A_137 = arith.constant 3 : i32
    %dma_start3A_138 = arith.constant 3 : i32
    %dma_start3A_139 = arith.constant 0 : i32
    %dma_start3A_140 = arith.constant 0 : i32
    %dma_start3A_141 = tpu.memref_slice %arg7[%dma_start3A_138, %dma_start3A_139, %dma_start3A_140] : memref<6x64x128xf32, #tpu.memory_space<vmem>> -> memref<1x64x128xf32, #tpu.memory_space<vmem>>
    %dma_start3A_142 = tpu.memref_squeeze %dma_start3A_141 : memref<1x64x128xf32, #tpu.memory_space<vmem>> -> memref<64x128xf32, #tpu.memory_space<vmem>>
    %dma_start3A_143 = arith.constant 0 : i32
    %dma_start3A_144 = tpu.memref_slice %arg6[%dma_start3A_137, %dma_start3A_143] : memref<8x64xi32, #tpu.memory_space<vmem>> -> memref<1x64xi32, #tpu.memory_space<vmem>>
    %dma_start3A_145 = tpu.memref_squeeze %dma_start3A_144 : memref<1x64xi32, #tpu.memory_space<vmem>> -> memref<64xi32, #tpu.memory_space<vmem>>
    %dma_start3A_146 = arith.constant 0 : i32
    %dma_start3A_147 = arith.constant 0 : i32
    %dma_start3A_148 = tpu.memref_slice %arg3[%dma_start3A_146, %dma_start3A_147] : memref<100000x128xf32, #tpu.memory_space<hbm>> -> memref<100000x128xf32, #tpu.memory_space<hbm>>
    tpu.enqueue_indirect_dma source(%dma_start3A_148 : memref<100000x128xf32, #tpu.memory_space<hbm>>) target(%dma_start3A_142 : memref<64x128xf32, #tpu.memory_space<vmem>>) offsets(%dma_start3A_145 : memref<64xi32, #tpu.memory_space<vmem>>) semaphore(%arg13 : memref<!tpu.dma_semaphore, #tpu.memory_space<semaphore_mem>>)
    %dma_start3A_149 = arith.constant 4 : i32
    %dma_start3A_150 = arith.constant 4 : i32
    %dma_start3A_151 = arith.constant 0 : i32
    %dma_start3A_152 = arith.constant 0 : i32
    %dma_start3A_153 = tpu.memref_slice %arg7[%dma_start3A_150, %dma_start3A_151, %dma_start3A_152] : memref<6x64x128xf32, #tpu.memory_space<vmem>> -> memref<1x64x128xf32, #tpu.memory_space<vmem>>
    %dma_start3A_154 = tpu.memref_squeeze %dma_start3A_153 : memref<1x64x128xf32, #tpu.memory_space<vmem>> -> memref<64x128xf32, #tpu.memory_space<vmem>>
    %dma_start3A_155 = arith.constant 0 : i32
    %dma_start3A_156 = tpu.memref_slice %arg6[%dma_start3A_149, %dma_start3A_155] : memref<8x64xi32, #tpu.memory_space<vmem>> -> memref<1x64xi32, #tpu.memory_space<vmem>>
    %dma_start3A_157 = tpu.memref_squeeze %dma_start3A_156 : memref<1x64xi32, #tpu.memory_space<vmem>> -> memref<64xi32, #tpu.memory_space<vmem>>
    %dma_start3A_158 = arith.constant 0 : i32
    %dma_start3A_159 = arith.constant 0 : i32
    %dma_start3A_160 = tpu.memref_slice %arg3[%dma_start3A_158, %dma_start3A_159] : memref<100000x128xf32, #tpu.memory_space<hbm>> -> memref<100000x128xf32, #tpu.memory_space<hbm>>
    tpu.enqueue_indirect_dma source(%dma_start3A_160 : memref<100000x128xf32, #tpu.memory_space<hbm>>) target(%dma_start3A_154 : memref<64x128xf32, #tpu.memory_space<vmem>>) offsets(%dma_start3A_157 : memref<64xi32, #tpu.memory_space<vmem>>) semaphore(%arg14 : memref<!tpu.dma_semaphore, #tpu.memory_space<semaphore_mem>>)
    %dma_start3A_161 = arith.constant 5 : i32
    %dma_start3A_162 = arith.constant 5 : i32
    %dma_start3A_163 = arith.constant 0 : i32
    %dma_start3A_164 = arith.constant 0 : i32
    %dma_start3A_165 = tpu.memref_slice %arg7[%dma_start3A_162, %dma_start3A_163, %dma_start3A_164] : memref<6x64x128xf32, #tpu.memory_space<vmem>> -> memref<1x64x128xf32, #tpu.memory_space<vmem>>
    %dma_start3A_166 = tpu.memref_squeeze %dma_start3A_165 : memref<1x64x128xf32, #tpu.memory_space<vmem>> -> memref<64x128xf32, #tpu.memory_space<vmem>>
    %dma_start3A_167 = arith.constant 0 : i32
    %dma_start3A_168 = tpu.memref_slice %arg6[%dma_start3A_161, %dma_start3A_167] : memref<8x64xi32, #tpu.memory_space<vmem>> -> memref<1x64xi32, #tpu.memory_space<vmem>>
    %dma_start3A_169 = tpu.memref_squeeze %dma_start3A_168 : memref<1x64xi32, #tpu.memory_space<vmem>> -> memref<64xi32, #tpu.memory_space<vmem>>
    %dma_start3A_170 = arith.constant 0 : i32
    %dma_start3A_171 = arith.constant 0 : i32
    %dma_start3A_172 = tpu.memref_slice %arg3[%dma_start3A_170, %dma_start3A_171] : memref<100000x128xf32, #tpu.memory_space<hbm>> -> memref<100000x128xf32, #tpu.memory_space<hbm>>
    tpu.enqueue_indirect_dma source(%dma_start3A_172 : memref<100000x128xf32, #tpu.memory_space<hbm>>) target(%dma_start3A_166 : memref<64x128xf32, #tpu.memory_space<vmem>>) offsets(%dma_start3A_169 : memref<64xi32, #tpu.memory_space<vmem>>) semaphore(%arg15 : memref<!tpu.dma_semaphore, #tpu.memory_space<semaphore_mem>>)
    %broadcast_in_dim3A = arith.constant 0.000000e+00 : f32
    %broadcast_in_dim3A_173 = vector.broadcast %broadcast_in_dim3A : f32 to vector<16xf32>
    %broadcast_in_dim3A_174 = arith.constant 0.000000e+00 : f32
    %broadcast_in_dim3A_175 = vector.broadcast %broadcast_in_dim3A_174 : f32 to vector<16xf32>
    %broadcast_in_dim3A_176 = arith.constant 0.000000e+00 : f32
    %broadcast_in_dim3A_177 = vector.broadcast %broadcast_in_dim3A_176 : f32 to vector<16xf32>
    %broadcast_in_dim3A_178 = arith.constant 0.000000e+00 : f32
    %broadcast_in_dim3A_179 = vector.broadcast %broadcast_in_dim3A_178 : f32 to vector<16xf32>
    %broadcast_in_dim3A_180 = arith.constant 0.000000e+00 : f32
    %broadcast_in_dim3A_181 = vector.broadcast %broadcast_in_dim3A_180 : f32 to vector<16xf32>
    %broadcast_in_dim3A_182 = arith.constant 0.000000e+00 : f32
    %broadcast_in_dim3A_183 = vector.broadcast %broadcast_in_dim3A_182 : f32 to vector<16xf32>
    %broadcast_in_dim3A_184 = arith.constant 0.000000e+00 : f32
    %broadcast_in_dim3A_185 = vector.broadcast %broadcast_in_dim3A_184 : f32 to vector<16xf32>
    %broadcast_in_dim3A_186 = arith.constant 0.000000e+00 : f32
    %broadcast_in_dim3A_187 = vector.broadcast %broadcast_in_dim3A_186 : f32 to vector<16xf32>
    %broadcast_in_dim3A_188 = arith.constant 3 : i32
    %broadcast_in_dim3A_189 = vector.broadcast %broadcast_in_dim3A_188 : i32 to vector<16xi32>
    %dma_wait3A_190 = arith.constant 0 : i32
    %dma_wait3A_191 = arith.constant 0 : i32
    %dma_wait3A_192 = arith.constant 0 : i32
    %dma_wait3A_193 = arith.constant 0 : i32
    %dma_wait3A_194 = tpu.memref_slice %arg7[%dma_wait3A_191, %dma_wait3A_192, %dma_wait3A_193] : memref<6x64x128xf32, #tpu.memory_space<vmem>> -> memref<1x64x128xf32, #tpu.memory_space<vmem>>
    %dma_wait3A_195 = tpu.memref_squeeze %dma_wait3A_194 : memref<1x64x128xf32, #tpu.memory_space<vmem>> -> memref<64x128xf32, #tpu.memory_space<vmem>>
    %dma_wait3A_196 = arith.constant 0 : i32
    %dma_wait3A_197 = tpu.memref_slice %arg6[%dma_wait3A_190, %dma_wait3A_196] : memref<8x64xi32, #tpu.memory_space<vmem>> -> memref<1x64xi32, #tpu.memory_space<vmem>>
    %dma_wait3A_198 = tpu.memref_squeeze %dma_wait3A_197 : memref<1x64xi32, #tpu.memory_space<vmem>> -> memref<64xi32, #tpu.memory_space<vmem>>
    %dma_wait3A_199 = arith.constant 0 : i32
    %dma_wait3A_200 = arith.constant 0 : i32
    %dma_wait3A_201 = tpu.memref_slice %arg3[%dma_wait3A_199, %dma_wait3A_200] : memref<100000x128xf32, #tpu.memory_space<hbm>> -> memref<100000x128xf32, #tpu.memory_space<hbm>>
    tpu.wait_indirect_dma semaphore(%arg10 : memref<!tpu.dma_semaphore, #tpu.memory_space<semaphore_mem>>) src(%dma_wait3A_201 : memref<100000x128xf32, #tpu.memory_space<hbm>>) dst(%dma_wait3A_195 : memref<64x128xf32, #tpu.memory_space<vmem>>)
    %scan3A_202 = arith.constant 0 : i32
    %scan3A_203 = arith.constant 64 : i32
    %scan3A_204 = arith.addi %scan3A_202, %scan3A_203 : i32
    %scan3A_205 = arith.constant 1 : i32
    %scan3A_206:8 = scf.for %scan3A_373 = %scan3A_202 to %scan3A_204 step %scan3A_205 iter_args(%scan3A_374 = %broadcast_in_dim3A_173, %scan3A_375 = %broadcast_in_dim3A_175, %scan3A_376 = %broadcast_in_dim3A_177, %scan3A_377 = %broadcast_in_dim3A_179, %scan3A_378 = %broadcast_in_dim3A_181, %scan3A_379 = %broadcast_in_dim3A_183, %scan3A_380 = %broadcast_in_dim3A_185, %scan3A_381 = %broadcast_in_dim3A_187) -> (vector<16xf32>, vector<16xf32>, vector<16xf32>, vector<16xf32>, vector<16xf32>, vector<16xf32>, vector<16xf32>, vector<16xf32>)  : i32 {
      %broadcast_in_dim3A_382 = arith.constant 0 : i32
      %broadcast_in_dim3A_383 = vector.broadcast %broadcast_in_dim3A_382 : i32 to vector<16xi32>
      %add3A_384 = vector.broadcast %scan3A_373 : i32 to vector<16xi32>
      %add3A_385 = arith.addi %broadcast_in_dim3A_383, %add3A_384 : vector<16xi32>
      %gather3A = tpu.vector_load_idx %arg5[%broadcast_in_dim3A_189, %add3A_385] : memref<4x512xf32, #tpu.memory_space<vmem>>[vector<16xi32>, vector<16xi32>], vector<16xf32>,
      %get3A = arith.constant 0 : i32
      %get3A_386 = arith.index_cast %get3A : i32 to index
      %get3A_387 = arith.index_cast %scan3A_373 : i32 to index
      %get3A_388 = arith.constant 0 : index
      %get3A_389 = tpu.vector_load %arg7[%get3A_386, %get3A_387, %get3A_388] {strides = array<i32>} : memref<6x64x128xf32, #tpu.memory_space<vmem>>, vector<16xf32>,
      %mul3A_390 = arith.mulf %get3A_389, %gather3A : vector<16xf32>
      %add3A_391 = arith.addf %scan3A_374, %mul3A_390 : vector<16xf32>
      %get3A_392 = arith.constant 0 : i32
      %get3A_393 = arith.index_cast %get3A_392 : i32 to index
      %get3A_394 = arith.index_cast %scan3A_373 : i32 to index
      %get3A_395 = arith.constant 16 : index
      %get3A_396 = tpu.vector_load %arg7[%get3A_393, %get3A_394, %get3A_395] {strides = array<i32>} : memref<6x64x128xf32, #tpu.memory_space<vmem>>, vector<16xf32>,
      %mul3A_397 = arith.mulf %get3A_396, %gather3A : vector<16xf32>
      %add3A_398 = arith.addf %scan3A_375, %mul3A_397 : vector<16xf32>
      %get3A_399 = arith.constant 0 : i32
      %get3A_400 = arith.index_cast %get3A_399 : i32 to index
      %get3A_401 = arith.index_cast %scan3A_373 : i32 to index
      %get3A_402 = arith.constant 32 : index
      %get3A_403 = tpu.vector_load %arg7[%get3A_400, %get3A_401, %get3A_402] {strides = array<i32>} : memref<6x64x128xf32, #tpu.memory_space<vmem>>, vector<16xf32>,
      %mul3A_404 = arith.mulf %get3A_403, %gather3A : vector<16xf32>
      %add3A_405 = arith.addf %scan3A_376, %mul3A_404 : vector<16xf32>
      %get3A_406 = arith.constant 0 : i32
      %get3A_407 = arith.index_cast %get3A_406 : i32 to index
      %get3A_408 = arith.index_cast %scan3A_373 : i32 to index
      %get3A_409 = arith.constant 48 : index
      %get3A_410 = tpu.vector_load %arg7[%get3A_407, %get3A_408, %get3A_409] {strides = array<i32>} : memref<6x64x128xf32, #tpu.memory_space<vmem>>, vector<16xf32>,
      %mul3A_411 = arith.mulf %get3A_410, %gather3A : vector<16xf32>
      %add3A_412 = arith.addf %scan3A_377, %mul3A_411 : vector<16xf32>
      %get3A_413 = arith.constant 0 : i32
      %get3A_414 = arith.index_cast %get3A_413 : i32 to index
      %get3A_415 = arith.index_cast %scan3A_373 : i32 to index
      %get3A_416 = arith.constant 64 : index
      %get3A_417 = tpu.vector_load %arg7[%get3A_414, %get3A_415, %get3A_416] {strides = array<i32>} : memref<6x64x128xf32, #tpu.memory_space<vmem>>, vector<16xf32>,
      %mul3A_418 = arith.mulf %get3A_417, %gather3A : vector<16xf32>
      %add3A_419 = arith.addf %scan3A_378, %mul3A_418 : vector<16xf32>
      %get3A_420 = arith.constant 0 : i32
      %get3A_421 = arith.index_cast %get3A_420 : i32 to index
      %get3A_422 = arith.index_cast %scan3A_373 : i32 to index
      %get3A_423 = arith.constant 80 : index
      %get3A_424 = tpu.vector_load %arg7[%get3A_421, %get3A_422, %get3A_423] {strides = array<i32>} : memref<6x64x128xf32, #tpu.memory_space<vmem>>, vector<16xf32>,
      %mul3A_425 = arith.mulf %get3A_424, %gather3A : vector<16xf32>
      %add3A_426 = arith.addf %scan3A_379, %mul3A_425 : vector<16xf32>
      %get3A_427 = arith.constant 0 : i32
      %get3A_428 = arith.index_cast %get3A_427 : i32 to index
      %get3A_429 = arith.index_cast %scan3A_373 : i32 to index
      %get3A_430 = arith.constant 96 : index
      %get3A_431 = tpu.vector_load %arg7[%get3A_428, %get3A_429, %get3A_430] {strides = array<i32>} : memref<6x64x128xf32, #tpu.memory_space<vmem>>, vector<16xf32>,
      %mul3A_432 = arith.mulf %get3A_431, %gather3A : vector<16xf32>
      %add3A_433 = arith.addf %scan3A_380, %mul3A_432 : vector<16xf32>
      %get3A_434 = arith.constant 0 : i32
      %get3A_435 = arith.index_cast %get3A_434 : i32 to index
      %get3A_436 = arith.index_cast %scan3A_373 : i32 to index
      %get3A_437 = arith.constant 112 : index
      %get3A_438 = tpu.vector_load %arg7[%get3A_435, %get3A_436, %get3A_437] {strides = array<i32>} : memref<6x64x128xf32, #tpu.memory_space<vmem>>, vector<16xf32>,
      %mul3A_439 = arith.mulf %get3A_438, %gather3A : vector<16xf32>
      %add3A_440 = arith.addf %scan3A_381, %mul3A_439 : vector<16xf32>
      scf.yield %add3A_391, %add3A_398, %add3A_405, %add3A_412, %add3A_419, %add3A_426, %add3A_433, %add3A_440 : vector<16xf32>, vector<16xf32>, vector<16xf32>, vector<16xf32>, vector<16xf32>, vector<16xf32>, vector<16xf32>, vector<16xf32>
    }
    %scan3A_207 = arith.constant 64 : i32
    %dma_start3A_208 = arith.constant 6 : i32
    %dma_start3A_209 = arith.constant 0 : i32
    %dma_start3A_210 = arith.constant 0 : i32
    %dma_start3A_211 = arith.constant 0 : i32
    %dma_start3A_212 = tpu.memref_slice %arg7[%dma_start3A_209, %dma_start3A_210, %dma_start3A_211] : memref<6x64x128xf32, #tpu.memory_space<vmem>> -> memref<1x64x128xf32, #tpu.memory_space<vmem>>
    %dma_start3A_213 = tpu.memref_squeeze %dma_start3A_212 : memref<1x64x128xf32, #tpu.memory_space<vmem>> -> memref<64x128xf32, #tpu.memory_space<vmem>>
    %dma_start3A_214 = arith.constant 0 : i32
    %dma_start3A_215 = tpu.memref_slice %arg6[%dma_start3A_208, %dma_start3A_214] : memref<8x64xi32, #tpu.memory_space<vmem>> -> memref<1x64xi32, #tpu.memory_space<vmem>>
    %dma_start3A_216 = tpu.memref_squeeze %dma_start3A_215 : memref<1x64xi32, #tpu.memory_space<vmem>> -> memref<64xi32, #tpu.memory_space<vmem>>
    %dma_start3A_217 = arith.constant 0 : i32
    %dma_start3A_218 = arith.constant 0 : i32
    %dma_start3A_219 = tpu.memref_slice %arg3[%dma_start3A_217, %dma_start3A_218] : memref<100000x128xf32, #tpu.memory_space<hbm>> -> memref<100000x128xf32, #tpu.memory_space<hbm>>
    tpu.enqueue_indirect_dma source(%dma_start3A_219 : memref<100000x128xf32, #tpu.memory_space<hbm>>) target(%dma_start3A_213 : memref<64x128xf32, #tpu.memory_space<vmem>>) offsets(%dma_start3A_216 : memref<64xi32, #tpu.memory_space<vmem>>) semaphore(%arg10 : memref<!tpu.dma_semaphore, #tpu.memory_space<semaphore_mem>>)
    %dma_wait3A_220 = arith.constant 1 : i32
    %dma_wait3A_221 = arith.constant 1 : i32
    %dma_wait3A_222 = arith.constant 0 : i32
    %dma_wait3A_223 = arith.constant 0 : i32
    %dma_wait3A_224 = tpu.memref_slice %arg7[%dma_wait3A_221, %dma_wait3A_222, %dma_wait3A_223] : memref<6x64x128xf32, #tpu.memory_space<vmem>> -> memref<1x64x128xf32, #tpu.memory_space<vmem>>
    %dma_wait3A_225 = tpu.memref_squeeze %dma_wait3A_224 : memref<1x64x128xf32, #tpu.memory_space<vmem>> -> memref<64x128xf32, #tpu.memory_space<vmem>>
    %dma_wait3A_226 = arith.constant 0 : i32
    %dma_wait3A_227 = tpu.memref_slice %arg6[%dma_wait3A_220, %dma_wait3A_226] : memref<8x64xi32, #tpu.memory_space<vmem>> -> memref<1x64xi32, #tpu.memory_space<vmem>>
    %dma_wait3A_228 = tpu.memref_squeeze %dma_wait3A_227 : memref<1x64xi32, #tpu.memory_space<vmem>> -> memref<64xi32, #tpu.memory_space<vmem>>
    %dma_wait3A_229 = arith.constant 0 : i32
    %dma_wait3A_230 = arith.constant 0 : i32
    %dma_wait3A_231 = tpu.memref_slice %arg3[%dma_wait3A_229, %dma_wait3A_230] : memref<100000x128xf32, #tpu.memory_space<hbm>> -> memref<100000x128xf32, #tpu.memory_space<hbm>>
    tpu.wait_indirect_dma semaphore(%arg11 : memref<!tpu.dma_semaphore, #tpu.memory_space<semaphore_mem>>) src(%dma_wait3A_231 : memref<100000x128xf32, #tpu.memory_space<hbm>>) dst(%dma_wait3A_225 : memref<64x128xf32, #tpu.memory_space<vmem>>)
    %scan3A_232 = arith.constant 0 : i32
    %scan3A_233 = arith.constant 64 : i32
    %scan3A_234 = arith.addi %scan3A_232, %scan3A_233 : i32
    %scan3A_235 = arith.constant 1 : i32
    %scan3A_236:8 = scf.for %scan3A_373 = %scan3A_232 to %scan3A_234 step %scan3A_235 iter_args(%scan3A_374 = %scan3A_206#0, %scan3A_375 = %scan3A_206#1, %scan3A_376 = %scan3A_206#2, %scan3A_377 = %scan3A_206#3, %scan3A_378 = %scan3A_206#4, %scan3A_379 = %scan3A_206#5, %scan3A_380 = %scan3A_206#6, %scan3A_381 = %scan3A_206#7) -> (vector<16xf32>, vector<16xf32>, vector<16xf32>, vector<16xf32>, vector<16xf32>, vector<16xf32>, vector<16xf32>, vector<16xf32>)  : i32 {
      %broadcast_in_dim3A_382 = arith.constant 64 : i32
      %broadcast_in_dim3A_383 = vector.broadcast %broadcast_in_dim3A_382 : i32 to vector<16xi32>
      %add3A_384 = vector.broadcast %scan3A_373 : i32 to vector<16xi32>
      %add3A_385 = arith.addi %broadcast_in_dim3A_383, %add3A_384 : vector<16xi32>
      %gather3A = tpu.vector_load_idx %arg5[%broadcast_in_dim3A_189, %add3A_385] : memref<4x512xf32, #tpu.memory_space<vmem>>[vector<16xi32>, vector<16xi32>], vector<16xf32>,
      %get3A = arith.constant 1 : i32
      %get3A_386 = arith.index_cast %get3A : i32 to index
      %get3A_387 = arith.index_cast %scan3A_373 : i32 to index
      %get3A_388 = arith.constant 0 : index
      %get3A_389 = tpu.vector_load %arg7[%get3A_386, %get3A_387, %get3A_388] {strides = array<i32>} : memref<6x64x128xf32, #tpu.memory_space<vmem>>, vector<16xf32>,
      %mul3A_390 = arith.mulf %get3A_389, %gather3A : vector<16xf32>
      %add3A_391 = arith.addf %scan3A_374, %mul3A_390 : vector<16xf32>
      %get3A_392 = arith.constant 1 : i32
      %get3A_393 = arith.index_cast %get3A_392 : i32 to index
      %get3A_394 = arith.index_cast %scan3A_373 : i32 to index
      %get3A_395 = arith.constant 16 : index
      %get3A_396 = tpu.vector_load %arg7[%get3A_393, %get3A_394, %get3A_395] {strides = array<i32>} : memref<6x64x128xf32, #tpu.memory_space<vmem>>, vector<16xf32>,
      %mul3A_397 = arith.mulf %get3A_396, %gather3A : vector<16xf32>
      %add3A_398 = arith.addf %scan3A_375, %mul3A_397 : vector<16xf32>
      %get3A_399 = arith.constant 1 : i32
      %get3A_400 = arith.index_cast %get3A_399 : i32 to index
      %get3A_401 = arith.index_cast %scan3A_373 : i32 to index
      %get3A_402 = arith.constant 32 : index
      %get3A_403 = tpu.vector_load %arg7[%get3A_400, %get3A_401, %get3A_402] {strides = array<i32>} : memref<6x64x128xf32, #tpu.memory_space<vmem>>, vector<16xf32>,
      %mul3A_404 = arith.mulf %get3A_403, %gather3A : vector<16xf32>
      %add3A_405 = arith.addf %scan3A_376, %mul3A_404 : vector<16xf32>
      %get3A_406 = arith.constant 1 : i32
      %get3A_407 = arith.index_cast %get3A_406 : i32 to index
      %get3A_408 = arith.index_cast %scan3A_373 : i32 to index
      %get3A_409 = arith.constant 48 : index
      %get3A_410 = tpu.vector_load %arg7[%get3A_407, %get3A_408, %get3A_409] {strides = array<i32>} : memref<6x64x128xf32, #tpu.memory_space<vmem>>, vector<16xf32>,
      %mul3A_411 = arith.mulf %get3A_410, %gather3A : vector<16xf32>
      %add3A_412 = arith.addf %scan3A_377, %mul3A_411 : vector<16xf32>
      %get3A_413 = arith.constant 1 : i32
      %get3A_414 = arith.index_cast %get3A_413 : i32 to index
      %get3A_415 = arith.index_cast %scan3A_373 : i32 to index
      %get3A_416 = arith.constant 64 : index
      %get3A_417 = tpu.vector_load %arg7[%get3A_414, %get3A_415, %get3A_416] {strides = array<i32>} : memref<6x64x128xf32, #tpu.memory_space<vmem>>, vector<16xf32>,
      %mul3A_418 = arith.mulf %get3A_417, %gather3A : vector<16xf32>
      %add3A_419 = arith.addf %scan3A_378, %mul3A_418 : vector<16xf32>
      %get3A_420 = arith.constant 1 : i32
      %get3A_421 = arith.index_cast %get3A_420 : i32 to index
      %get3A_422 = arith.index_cast %scan3A_373 : i32 to index
      %get3A_423 = arith.constant 80 : index
      %get3A_424 = tpu.vector_load %arg7[%get3A_421, %get3A_422, %get3A_423] {strides = array<i32>} : memref<6x64x128xf32, #tpu.memory_space<vmem>>, vector<16xf32>,
      %mul3A_425 = arith.mulf %get3A_424, %gather3A : vector<16xf32>
      %add3A_426 = arith.addf %scan3A_379, %mul3A_425 : vector<16xf32>
      %get3A_427 = arith.constant 1 : i32
      %get3A_428 = arith.index_cast %get3A_427 : i32 to index
      %get3A_429 = arith.index_cast %scan3A_373 : i32 to index
      %get3A_430 = arith.constant 96 : index
      %get3A_431 = tpu.vector_load %arg7[%get3A_428, %get3A_429, %get3A_430] {strides = array<i32>} : memref<6x64x128xf32, #tpu.memory_space<vmem>>, vector<16xf32>,
      %mul3A_432 = arith.mulf %get3A_431, %gather3A : vector<16xf32>
      %add3A_433 = arith.addf %scan3A_380, %mul3A_432 : vector<16xf32>
      %get3A_434 = arith.constant 1 : i32
      %get3A_435 = arith.index_cast %get3A_434 : i32 to index
      %get3A_436 = arith.index_cast %scan3A_373 : i32 to index
      %get3A_437 = arith.constant 112 : index
      %get3A_438 = tpu.vector_load %arg7[%get3A_435, %get3A_436, %get3A_437] {strides = array<i32>} : memref<6x64x128xf32, #tpu.memory_space<vmem>>, vector<16xf32>,
      %mul3A_439 = arith.mulf %get3A_438, %gather3A : vector<16xf32>
      %add3A_440 = arith.addf %scan3A_381, %mul3A_439 : vector<16xf32>
      scf.yield %add3A_391, %add3A_398, %add3A_405, %add3A_412, %add3A_419, %add3A_426, %add3A_433, %add3A_440 : vector<16xf32>, vector<16xf32>, vector<16xf32>, vector<16xf32>, vector<16xf32>, vector<16xf32>, vector<16xf32>, vector<16xf32>
    }
    %scan3A_237 = arith.constant 64 : i32
    %dma_start3A_238 = arith.constant 7 : i32
    %dma_start3A_239 = arith.constant 1 : i32
    %dma_start3A_240 = arith.constant 0 : i32
    %dma_start3A_241 = arith.constant 0 : i32
    %dma_start3A_242 = tpu.memref_slice %arg7[%dma_start3A_239, %dma_start3A_240, %dma_start3A_241] : memref<6x64x128xf32, #tpu.memory_space<vmem>> -> memref<1x64x128xf32, #tpu.memory_space<vmem>>
    %dma_start3A_243 = tpu.memref_squeeze %dma_start3A_242 : memref<1x64x128xf32, #tpu.memory_space<vmem>> -> memref<64x128xf32, #tpu.memory_space<vmem>>
    %dma_start3A_244 = arith.constant 0 : i32
    %dma_start3A_245 = tpu.memref_slice %arg6[%dma_start3A_238, %dma_start3A_244] : memref<8x64xi32, #tpu.memory_space<vmem>> -> memref<1x64xi32, #tpu.memory_space<vmem>>
    %dma_start3A_246 = tpu.memref_squeeze %dma_start3A_245 : memref<1x64xi32, #tpu.memory_space<vmem>> -> memref<64xi32, #tpu.memory_space<vmem>>
    %dma_start3A_247 = arith.constant 0 : i32
    %dma_start3A_248 = arith.constant 0 : i32
    %dma_start3A_249 = tpu.memref_slice %arg3[%dma_start3A_247, %dma_start3A_248] : memref<100000x128xf32, #tpu.memory_space<hbm>> -> memref<100000x128xf32, #tpu.memory_space<hbm>>
    tpu.enqueue_indirect_dma source(%dma_start3A_249 : memref<100000x128xf32, #tpu.memory_space<hbm>>) target(%dma_start3A_243 : memref<64x128xf32, #tpu.memory_space<vmem>>) offsets(%dma_start3A_246 : memref<64xi32, #tpu.memory_space<vmem>>) semaphore(%arg11 : memref<!tpu.dma_semaphore, #tpu.memory_space<semaphore_mem>>)
    %dma_wait3A_250 = arith.constant 2 : i32
    %dma_wait3A_251 = arith.constant 2 : i32
    %dma_wait3A_252 = arith.constant 0 : i32
    %dma_wait3A_253 = arith.constant 0 : i32
    %dma_wait3A_254 = tpu.memref_slice %arg7[%dma_wait3A_251, %dma_wait3A_252, %dma_wait3A_253] : memref<6x64x128xf32, #tpu.memory_space<vmem>> -> memref<1x64x128xf32, #tpu.memory_space<vmem>>
    %dma_wait3A_255 = tpu.memref_squeeze %dma_wait3A_254 : memref<1x64x128xf32, #tpu.memory_space<vmem>> -> memref<64x128xf32, #tpu.memory_space<vmem>>
    %dma_wait3A_256 = arith.constant 0 : i32
    %dma_wait3A_257 = tpu.memref_slice %arg6[%dma_wait3A_250, %dma_wait3A_256] : memref<8x64xi32, #tpu.memory_space<vmem>> -> memref<1x64xi32, #tpu.memory_space<vmem>>
    %dma_wait3A_258 = tpu.memref_squeeze %dma_wait3A_257 : memref<1x64xi32, #tpu.memory_space<vmem>> -> memref<64xi32, #tpu.memory_space<vmem>>
    %dma_wait3A_259 = arith.constant 0 : i32
    %dma_wait3A_260 = arith.constant 0 : i32
    %dma_wait3A_261 = tpu.memref_slice %arg3[%dma_wait3A_259, %dma_wait3A_260] : memref<100000x128xf32, #tpu.memory_space<hbm>> -> memref<100000x128xf32, #tpu.memory_space<hbm>>
    tpu.wait_indirect_dma semaphore(%arg12 : memref<!tpu.dma_semaphore, #tpu.memory_space<semaphore_mem>>) src(%dma_wait3A_261 : memref<100000x128xf32, #tpu.memory_space<hbm>>) dst(%dma_wait3A_255 : memref<64x128xf32, #tpu.memory_space<vmem>>)
    %scan3A_262 = arith.constant 0 : i32
    %scan3A_263 = arith.constant 64 : i32
    %scan3A_264 = arith.addi %scan3A_262, %scan3A_263 : i32
    %scan3A_265 = arith.constant 1 : i32
    %scan3A_266:8 = scf.for %scan3A_373 = %scan3A_262 to %scan3A_264 step %scan3A_265 iter_args(%scan3A_374 = %scan3A_236#0, %scan3A_375 = %scan3A_236#1, %scan3A_376 = %scan3A_236#2, %scan3A_377 = %scan3A_236#3, %scan3A_378 = %scan3A_236#4, %scan3A_379 = %scan3A_236#5, %scan3A_380 = %scan3A_236#6, %scan3A_381 = %scan3A_236#7) -> (vector<16xf32>, vector<16xf32>, vector<16xf32>, vector<16xf32>, vector<16xf32>, vector<16xf32>, vector<16xf32>, vector<16xf32>)  : i32 {
      %broadcast_in_dim3A_382 = arith.constant 128 : i32
      %broadcast_in_dim3A_383 = vector.broadcast %broadcast_in_dim3A_382 : i32 to vector<16xi32>
      %add3A_384 = vector.broadcast %scan3A_373 : i32 to vector<16xi32>
      %add3A_385 = arith.addi %broadcast_in_dim3A_383, %add3A_384 : vector<16xi32>
      %gather3A = tpu.vector_load_idx %arg5[%broadcast_in_dim3A_189, %add3A_385] : memref<4x512xf32, #tpu.memory_space<vmem>>[vector<16xi32>, vector<16xi32>], vector<16xf32>,
      %get3A = arith.constant 2 : i32
      %get3A_386 = arith.index_cast %get3A : i32 to index
      %get3A_387 = arith.index_cast %scan3A_373 : i32 to index
      %get3A_388 = arith.constant 0 : index
      %get3A_389 = tpu.vector_load %arg7[%get3A_386, %get3A_387, %get3A_388] {strides = array<i32>} : memref<6x64x128xf32, #tpu.memory_space<vmem>>, vector<16xf32>,
      %mul3A_390 = arith.mulf %get3A_389, %gather3A : vector<16xf32>
      %add3A_391 = arith.addf %scan3A_374, %mul3A_390 : vector<16xf32>
      %get3A_392 = arith.constant 2 : i32
      %get3A_393 = arith.index_cast %get3A_392 : i32 to index
      %get3A_394 = arith.index_cast %scan3A_373 : i32 to index
      %get3A_395 = arith.constant 16 : index
      %get3A_396 = tpu.vector_load %arg7[%get3A_393, %get3A_394, %get3A_395] {strides = array<i32>} : memref<6x64x128xf32, #tpu.memory_space<vmem>>, vector<16xf32>,
      %mul3A_397 = arith.mulf %get3A_396, %gather3A : vector<16xf32>
      %add3A_398 = arith.addf %scan3A_375, %mul3A_397 : vector<16xf32>
      %get3A_399 = arith.constant 2 : i32
      %get3A_400 = arith.index_cast %get3A_399 : i32 to index
      %get3A_401 = arith.index_cast %scan3A_373 : i32 to index
      %get3A_402 = arith.constant 32 : index
      %get3A_403 = tpu.vector_load %arg7[%get3A_400, %get3A_401, %get3A_402] {strides = array<i32>} : memref<6x64x128xf32, #tpu.memory_space<vmem>>, vector<16xf32>,
      %mul3A_404 = arith.mulf %get3A_403, %gather3A : vector<16xf32>
      %add3A_405 = arith.addf %scan3A_376, %mul3A_404 : vector<16xf32>
      %get3A_406 = arith.constant 2 : i32
      %get3A_407 = arith.index_cast %get3A_406 : i32 to index
      %get3A_408 = arith.index_cast %scan3A_373 : i32 to index
      %get3A_409 = arith.constant 48 : index
      %get3A_410 = tpu.vector_load %arg7[%get3A_407, %get3A_408, %get3A_409] {strides = array<i32>} : memref<6x64x128xf32, #tpu.memory_space<vmem>>, vector<16xf32>,
      %mul3A_411 = arith.mulf %get3A_410, %gather3A : vector<16xf32>
      %add3A_412 = arith.addf %scan3A_377, %mul3A_411 : vector<16xf32>
      %get3A_413 = arith.constant 2 : i32
      %get3A_414 = arith.index_cast %get3A_413 : i32 to index
      %get3A_415 = arith.index_cast %scan3A_373 : i32 to index
      %get3A_416 = arith.constant 64 : index
      %get3A_417 = tpu.vector_load %arg7[%get3A_414, %get3A_415, %get3A_416] {strides = array<i32>} : memref<6x64x128xf32, #tpu.memory_space<vmem>>, vector<16xf32>,
      %mul3A_418 = arith.mulf %get3A_417, %gather3A : vector<16xf32>
      %add3A_419 = arith.addf %scan3A_378, %mul3A_418 : vector<16xf32>
      %get3A_420 = arith.constant 2 : i32
      %get3A_421 = arith.index_cast %get3A_420 : i32 to index
      %get3A_422 = arith.index_cast %scan3A_373 : i32 to index
      %get3A_423 = arith.constant 80 : index
      %get3A_424 = tpu.vector_load %arg7[%get3A_421, %get3A_422, %get3A_423] {strides = array<i32>} : memref<6x64x128xf32, #tpu.memory_space<vmem>>, vector<16xf32>,
      %mul3A_425 = arith.mulf %get3A_424, %gather3A : vector<16xf32>
      %add3A_426 = arith.addf %scan3A_379, %mul3A_425 : vector<16xf32>
      %get3A_427 = arith.constant 2 : i32
      %get3A_428 = arith.index_cast %get3A_427 : i32 to index
      %get3A_429 = arith.index_cast %scan3A_373 : i32 to index
      %get3A_430 = arith.constant 96 : index
      %get3A_431 = tpu.vector_load %arg7[%get3A_428, %get3A_429, %get3A_430] {strides = array<i32>} : memref<6x64x128xf32, #tpu.memory_space<vmem>>, vector<16xf32>,
      %mul3A_432 = arith.mulf %get3A_431, %gather3A : vector<16xf32>
      %add3A_433 = arith.addf %scan3A_380, %mul3A_432 : vector<16xf32>
      %get3A_434 = arith.constant 2 : i32
      %get3A_435 = arith.index_cast %get3A_434 : i32 to index
      %get3A_436 = arith.index_cast %scan3A_373 : i32 to index
      %get3A_437 = arith.constant 112 : index
      %get3A_438 = tpu.vector_load %arg7[%get3A_435, %get3A_436, %get3A_437] {strides = array<i32>} : memref<6x64x128xf32, #tpu.memory_space<vmem>>, vector<16xf32>,
      %mul3A_439 = arith.mulf %get3A_438, %gather3A : vector<16xf32>
      %add3A_440 = arith.addf %scan3A_381, %mul3A_439 : vector<16xf32>
      scf.yield %add3A_391, %add3A_398, %add3A_405, %add3A_412, %add3A_419, %add3A_426, %add3A_433, %add3A_440 : vector<16xf32>, vector<16xf32>, vector<16xf32>, vector<16xf32>, vector<16xf32>, vector<16xf32>, vector<16xf32>, vector<16xf32>
    }
    %scan3A_267 = arith.constant 64 : i32
    %dma_wait3A_268 = arith.constant 3 : i32
    %dma_wait3A_269 = arith.constant 3 : i32
    %dma_wait3A_270 = arith.constant 0 : i32
    %dma_wait3A_271 = arith.constant 0 : i32
    %dma_wait3A_272 = tpu.memref_slice %arg7[%dma_wait3A_269, %dma_wait3A_270, %dma_wait3A_271] : memref<6x64x128xf32, #tpu.memory_space<vmem>> -> memref<1x64x128xf32, #tpu.memory_space<vmem>>
    %dma_wait3A_273 = tpu.memref_squeeze %dma_wait3A_272 : memref<1x64x128xf32, #tpu.memory_space<vmem>> -> memref<64x128xf32, #tpu.memory_space<vmem>>
    %dma_wait3A_274 = arith.constant 0 : i32
    %dma_wait3A_275 = tpu.memref_slice %arg6[%dma_wait3A_268, %dma_wait3A_274] : memref<8x64xi32, #tpu.memory_space<vmem>> -> memref<1x64xi32, #tpu.memory_space<vmem>>
    %dma_wait3A_276 = tpu.memref_squeeze %dma_wait3A_275 : memref<1x64xi32, #tpu.memory_space<vmem>> -> memref<64xi32, #tpu.memory_space<vmem>>
    %dma_wait3A_277 = arith.constant 0 : i32
    %dma_wait3A_278 = arith.constant 0 : i32
    %dma_wait3A_279 = tpu.memref_slice %arg3[%dma_wait3A_277, %dma_wait3A_278] : memref<100000x128xf32, #tpu.memory_space<hbm>> -> memref<100000x128xf32, #tpu.memory_space<hbm>>
    tpu.wait_indirect_dma semaphore(%arg13 : memref<!tpu.dma_semaphore, #tpu.memory_space<semaphore_mem>>) src(%dma_wait3A_279 : memref<100000x128xf32, #tpu.memory_space<hbm>>) dst(%dma_wait3A_273 : memref<64x128xf32, #tpu.memory_space<vmem>>)
    %scan3A_280 = arith.constant 0 : i32
    %scan3A_281 = arith.constant 64 : i32
    %scan3A_282 = arith.addi %scan3A_280, %scan3A_281 : i32
    %scan3A_283 = arith.constant 1 : i32
    %scan3A_284:8 = scf.for %scan3A_373 = %scan3A_280 to %scan3A_282 step %scan3A_283 iter_args(%scan3A_374 = %scan3A_266#0, %scan3A_375 = %scan3A_266#1, %scan3A_376 = %scan3A_266#2, %scan3A_377 = %scan3A_266#3, %scan3A_378 = %scan3A_266#4, %scan3A_379 = %scan3A_266#5, %scan3A_380 = %scan3A_266#6, %scan3A_381 = %scan3A_266#7) -> (vector<16xf32>, vector<16xf32>, vector<16xf32>, vector<16xf32>, vector<16xf32>, vector<16xf32>, vector<16xf32>, vector<16xf32>)  : i32 {
      %broadcast_in_dim3A_382 = arith.constant 192 : i32
      %broadcast_in_dim3A_383 = vector.broadcast %broadcast_in_dim3A_382 : i32 to vector<16xi32>
      %add3A_384 = vector.broadcast %scan3A_373 : i32 to vector<16xi32>
      %add3A_385 = arith.addi %broadcast_in_dim3A_383, %add3A_384 : vector<16xi32>
      %gather3A = tpu.vector_load_idx %arg5[%broadcast_in_dim3A_189, %add3A_385] : memref<4x512xf32, #tpu.memory_space<vmem>>[vector<16xi32>, vector<16xi32>], vector<16xf32>,
      %get3A = arith.constant 3 : i32
      %get3A_386 = arith.index_cast %get3A : i32 to index
      %get3A_387 = arith.index_cast %scan3A_373 : i32 to index
      %get3A_388 = arith.constant 0 : index
      %get3A_389 = tpu.vector_load %arg7[%get3A_386, %get3A_387, %get3A_388] {strides = array<i32>} : memref<6x64x128xf32, #tpu.memory_space<vmem>>, vector<16xf32>,
      %mul3A_390 = arith.mulf %get3A_389, %gather3A : vector<16xf32>
      %add3A_391 = arith.addf %scan3A_374, %mul3A_390 : vector<16xf32>
      %get3A_392 = arith.constant 3 : i32
      %get3A_393 = arith.index_cast %get3A_392 : i32 to index
      %get3A_394 = arith.index_cast %scan3A_373 : i32 to index
      %get3A_395 = arith.constant 16 : index
      %get3A_396 = tpu.vector_load %arg7[%get3A_393, %get3A_394, %get3A_395] {strides = array<i32>} : memref<6x64x128xf32, #tpu.memory_space<vmem>>, vector<16xf32>,
      %mul3A_397 = arith.mulf %get3A_396, %gather3A : vector<16xf32>
      %add3A_398 = arith.addf %scan3A_375, %mul3A_397 : vector<16xf32>
      %get3A_399 = arith.constant 3 : i32
      %get3A_400 = arith.index_cast %get3A_399 : i32 to index
      %get3A_401 = arith.index_cast %scan3A_373 : i32 to index
      %get3A_402 = arith.constant 32 : index
      %get3A_403 = tpu.vector_load %arg7[%get3A_400, %get3A_401, %get3A_402] {strides = array<i32>} : memref<6x64x128xf32, #tpu.memory_space<vmem>>, vector<16xf32>,
      %mul3A_404 = arith.mulf %get3A_403, %gather3A : vector<16xf32>
      %add3A_405 = arith.addf %scan3A_376, %mul3A_404 : vector<16xf32>
      %get3A_406 = arith.constant 3 : i32
      %get3A_407 = arith.index_cast %get3A_406 : i32 to index
      %get3A_408 = arith.index_cast %scan3A_373 : i32 to index
      %get3A_409 = arith.constant 48 : index
      %get3A_410 = tpu.vector_load %arg7[%get3A_407, %get3A_408, %get3A_409] {strides = array<i32>} : memref<6x64x128xf32, #tpu.memory_space<vmem>>, vector<16xf32>,
      %mul3A_411 = arith.mulf %get3A_410, %gather3A : vector<16xf32>
      %add3A_412 = arith.addf %scan3A_377, %mul3A_411 : vector<16xf32>
      %get3A_413 = arith.constant 3 : i32
      %get3A_414 = arith.index_cast %get3A_413 : i32 to index
      %get3A_415 = arith.index_cast %scan3A_373 : i32 to index
      %get3A_416 = arith.constant 64 : index
      %get3A_417 = tpu.vector_load %arg7[%get3A_414, %get3A_415, %get3A_416] {strides = array<i32>} : memref<6x64x128xf32, #tpu.memory_space<vmem>>, vector<16xf32>,
      %mul3A_418 = arith.mulf %get3A_417, %gather3A : vector<16xf32>
      %add3A_419 = arith.addf %scan3A_378, %mul3A_418 : vector<16xf32>
      %get3A_420 = arith.constant 3 : i32
      %get3A_421 = arith.index_cast %get3A_420 : i32 to index
      %get3A_422 = arith.index_cast %scan3A_373 : i32 to index
      %get3A_423 = arith.constant 80 : index
      %get3A_424 = tpu.vector_load %arg7[%get3A_421, %get3A_422, %get3A_423] {strides = array<i32>} : memref<6x64x128xf32, #tpu.memory_space<vmem>>, vector<16xf32>,
      %mul3A_425 = arith.mulf %get3A_424, %gather3A : vector<16xf32>
      %add3A_426 = arith.addf %scan3A_379, %mul3A_425 : vector<16xf32>
      %get3A_427 = arith.constant 3 : i32
      %get3A_428 = arith.index_cast %get3A_427 : i32 to index
      %get3A_429 = arith.index_cast %scan3A_373 : i32 to index
      %get3A_430 = arith.constant 96 : index
      %get3A_431 = tpu.vector_load %arg7[%get3A_428, %get3A_429, %get3A_430] {strides = array<i32>} : memref<6x64x128xf32, #tpu.memory_space<vmem>>, vector<16xf32>,
      %mul3A_432 = arith.mulf %get3A_431, %gather3A : vector<16xf32>
      %add3A_433 = arith.addf %scan3A_380, %mul3A_432 : vector<16xf32>
      %get3A_434 = arith.constant 3 : i32
      %get3A_435 = arith.index_cast %get3A_434 : i32 to index
      %get3A_436 = arith.index_cast %scan3A_373 : i32 to index
      %get3A_437 = arith.constant 112 : index
      %get3A_438 = tpu.vector_load %arg7[%get3A_435, %get3A_436, %get3A_437] {strides = array<i32>} : memref<6x64x128xf32, #tpu.memory_space<vmem>>, vector<16xf32>,
      %mul3A_439 = arith.mulf %get3A_438, %gather3A : vector<16xf32>
      %add3A_440 = arith.addf %scan3A_381, %mul3A_439 : vector<16xf32>
      scf.yield %add3A_391, %add3A_398, %add3A_405, %add3A_412, %add3A_419, %add3A_426, %add3A_433, %add3A_440 : vector<16xf32>, vector<16xf32>, vector<16xf32>, vector<16xf32>, vector<16xf32>, vector<16xf32>, vector<16xf32>, vector<16xf32>
    }
    %scan3A_285 = arith.constant 64 : i32
    %dma_wait3A_286 = arith.constant 4 : i32
    %dma_wait3A_287 = arith.constant 4 : i32
    %dma_wait3A_288 = arith.constant 0 : i32
    %dma_wait3A_289 = arith.constant 0 : i32
    %dma_wait3A_290 = tpu.memref_slice %arg7[%dma_wait3A_287, %dma_wait3A_288, %dma_wait3A_289] : memref<6x64x128xf32, #tpu.memory_space<vmem>> -> memref<1x64x128xf32, #tpu.memory_space<vmem>>
    %dma_wait3A_291 = tpu.memref_squeeze %dma_wait3A_290 : memref<1x64x128xf32, #tpu.memory_space<vmem>> -> memref<64x128xf32, #tpu.memory_space<vmem>>
    %dma_wait3A_292 = arith.constant 0 : i32
    %dma_wait3A_293 = tpu.memref_slice %arg6[%dma_wait3A_286, %dma_wait3A_292] : memref<8x64xi32, #tpu.memory_space<vmem>> -> memref<1x64xi32, #tpu.memory_space<vmem>>
    %dma_wait3A_294 = tpu.memref_squeeze %dma_wait3A_293 : memref<1x64xi32, #tpu.memory_space<vmem>> -> memref<64xi32, #tpu.memory_space<vmem>>
    %dma_wait3A_295 = arith.constant 0 : i32
    %dma_wait3A_296 = arith.constant 0 : i32
    %dma_wait3A_297 = tpu.memref_slice %arg3[%dma_wait3A_295, %dma_wait3A_296] : memref<100000x128xf32, #tpu.memory_space<hbm>> -> memref<100000x128xf32, #tpu.memory_space<hbm>>
    tpu.wait_indirect_dma semaphore(%arg14 : memref<!tpu.dma_semaphore, #tpu.memory_space<semaphore_mem>>) src(%dma_wait3A_297 : memref<100000x128xf32, #tpu.memory_space<hbm>>) dst(%dma_wait3A_291 : memref<64x128xf32, #tpu.memory_space<vmem>>)
    %scan3A_298 = arith.constant 0 : i32
    %scan3A_299 = arith.constant 64 : i32
    %scan3A_300 = arith.addi %scan3A_298, %scan3A_299 : i32
    %scan3A_301 = arith.constant 1 : i32
    %scan3A_302:8 = scf.for %scan3A_373 = %scan3A_298 to %scan3A_300 step %scan3A_301 iter_args(%scan3A_374 = %scan3A_284#0, %scan3A_375 = %scan3A_284#1, %scan3A_376 = %scan3A_284#2, %scan3A_377 = %scan3A_284#3, %scan3A_378 = %scan3A_284#4, %scan3A_379 = %scan3A_284#5, %scan3A_380 = %scan3A_284#6, %scan3A_381 = %scan3A_284#7) -> (vector<16xf32>, vector<16xf32>, vector<16xf32>, vector<16xf32>, vector<16xf32>, vector<16xf32>, vector<16xf32>, vector<16xf32>)  : i32 {
      %broadcast_in_dim3A_382 = arith.constant 256 : i32
      %broadcast_in_dim3A_383 = vector.broadcast %broadcast_in_dim3A_382 : i32 to vector<16xi32>
      %add3A_384 = vector.broadcast %scan3A_373 : i32 to vector<16xi32>
      %add3A_385 = arith.addi %broadcast_in_dim3A_383, %add3A_384 : vector<16xi32>
      %gather3A = tpu.vector_load_idx %arg5[%broadcast_in_dim3A_189, %add3A_385] : memref<4x512xf32, #tpu.memory_space<vmem>>[vector<16xi32>, vector<16xi32>], vector<16xf32>,
      %get3A = arith.constant 4 : i32
      %get3A_386 = arith.index_cast %get3A : i32 to index
      %get3A_387 = arith.index_cast %scan3A_373 : i32 to index
      %get3A_388 = arith.constant 0 : index
      %get3A_389 = tpu.vector_load %arg7[%get3A_386, %get3A_387, %get3A_388] {strides = array<i32>} : memref<6x64x128xf32, #tpu.memory_space<vmem>>, vector<16xf32>,
      %mul3A_390 = arith.mulf %get3A_389, %gather3A : vector<16xf32>
      %add3A_391 = arith.addf %scan3A_374, %mul3A_390 : vector<16xf32>
      %get3A_392 = arith.constant 4 : i32
      %get3A_393 = arith.index_cast %get3A_392 : i32 to index
      %get3A_394 = arith.index_cast %scan3A_373 : i32 to index
      %get3A_395 = arith.constant 16 : index
      %get3A_396 = tpu.vector_load %arg7[%get3A_393, %get3A_394, %get3A_395] {strides = array<i32>} : memref<6x64x128xf32, #tpu.memory_space<vmem>>, vector<16xf32>,
      %mul3A_397 = arith.mulf %get3A_396, %gather3A : vector<16xf32>
      %add3A_398 = arith.addf %scan3A_375, %mul3A_397 : vector<16xf32>
      %get3A_399 = arith.constant 4 : i32
      %get3A_400 = arith.index_cast %get3A_399 : i32 to index
      %get3A_401 = arith.index_cast %scan3A_373 : i32 to index
      %get3A_402 = arith.constant 32 : index
      %get3A_403 = tpu.vector_load %arg7[%get3A_400, %get3A_401, %get3A_402] {strides = array<i32>} : memref<6x64x128xf32, #tpu.memory_space<vmem>>, vector<16xf32>,
      %mul3A_404 = arith.mulf %get3A_403, %gather3A : vector<16xf32>
      %add3A_405 = arith.addf %scan3A_376, %mul3A_404 : vector<16xf32>
      %get3A_406 = arith.constant 4 : i32
      %get3A_407 = arith.index_cast %get3A_406 : i32 to index
      %get3A_408 = arith.index_cast %scan3A_373 : i32 to index
      %get3A_409 = arith.constant 48 : index
      %get3A_410 = tpu.vector_load %arg7[%get3A_407, %get3A_408, %get3A_409] {strides = array<i32>} : memref<6x64x128xf32, #tpu.memory_space<vmem>>, vector<16xf32>,
      %mul3A_411 = arith.mulf %get3A_410, %gather3A : vector<16xf32>
      %add3A_412 = arith.addf %scan3A_377, %mul3A_411 : vector<16xf32>
      %get3A_413 = arith.constant 4 : i32
      %get3A_414 = arith.index_cast %get3A_413 : i32 to index
      %get3A_415 = arith.index_cast %scan3A_373 : i32 to index
      %get3A_416 = arith.constant 64 : index
      %get3A_417 = tpu.vector_load %arg7[%get3A_414, %get3A_415, %get3A_416] {strides = array<i32>} : memref<6x64x128xf32, #tpu.memory_space<vmem>>, vector<16xf32>,
      %mul3A_418 = arith.mulf %get3A_417, %gather3A : vector<16xf32>
      %add3A_419 = arith.addf %scan3A_378, %mul3A_418 : vector<16xf32>
      %get3A_420 = arith.constant 4 : i32
      %get3A_421 = arith.index_cast %get3A_420 : i32 to index
      %get3A_422 = arith.index_cast %scan3A_373 : i32 to index
      %get3A_423 = arith.constant 80 : index
      %get3A_424 = tpu.vector_load %arg7[%get3A_421, %get3A_422, %get3A_423] {strides = array<i32>} : memref<6x64x128xf32, #tpu.memory_space<vmem>>, vector<16xf32>,
      %mul3A_425 = arith.mulf %get3A_424, %gather3A : vector<16xf32>
      %add3A_426 = arith.addf %scan3A_379, %mul3A_425 : vector<16xf32>
      %get3A_427 = arith.constant 4 : i32
      %get3A_428 = arith.index_cast %get3A_427 : i32 to index
      %get3A_429 = arith.index_cast %scan3A_373 : i32 to index
      %get3A_430 = arith.constant 96 : index
      %get3A_431 = tpu.vector_load %arg7[%get3A_428, %get3A_429, %get3A_430] {strides = array<i32>} : memref<6x64x128xf32, #tpu.memory_space<vmem>>, vector<16xf32>,
      %mul3A_432 = arith.mulf %get3A_431, %gather3A : vector<16xf32>
      %add3A_433 = arith.addf %scan3A_380, %mul3A_432 : vector<16xf32>
      %get3A_434 = arith.constant 4 : i32
      %get3A_435 = arith.index_cast %get3A_434 : i32 to index
      %get3A_436 = arith.index_cast %scan3A_373 : i32 to index
      %get3A_437 = arith.constant 112 : index
      %get3A_438 = tpu.vector_load %arg7[%get3A_435, %get3A_436, %get3A_437] {strides = array<i32>} : memref<6x64x128xf32, #tpu.memory_space<vmem>>, vector<16xf32>,
      %mul3A_439 = arith.mulf %get3A_438, %gather3A : vector<16xf32>
      %add3A_440 = arith.addf %scan3A_381, %mul3A_439 : vector<16xf32>
      scf.yield %add3A_391, %add3A_398, %add3A_405, %add3A_412, %add3A_419, %add3A_426, %add3A_433, %add3A_440 : vector<16xf32>, vector<16xf32>, vector<16xf32>, vector<16xf32>, vector<16xf32>, vector<16xf32>, vector<16xf32>, vector<16xf32>
    }
    %scan3A_303 = arith.constant 64 : i32
    %dma_wait3A_304 = arith.constant 5 : i32
    %dma_wait3A_305 = arith.constant 5 : i32
    %dma_wait3A_306 = arith.constant 0 : i32
    %dma_wait3A_307 = arith.constant 0 : i32
    %dma_wait3A_308 = tpu.memref_slice %arg7[%dma_wait3A_305, %dma_wait3A_306, %dma_wait3A_307] : memref<6x64x128xf32, #tpu.memory_space<vmem>> -> memref<1x64x128xf32, #tpu.memory_space<vmem>>
    %dma_wait3A_309 = tpu.memref_squeeze %dma_wait3A_308 : memref<1x64x128xf32, #tpu.memory_space<vmem>> -> memref<64x128xf32, #tpu.memory_space<vmem>>
    %dma_wait3A_310 = arith.constant 0 : i32
    %dma_wait3A_311 = tpu.memref_slice %arg6[%dma_wait3A_304, %dma_wait3A_310] : memref<8x64xi32, #tpu.memory_space<vmem>> -> memref<1x64xi32, #tpu.memory_space<vmem>>
    %dma_wait3A_312 = tpu.memref_squeeze %dma_wait3A_311 : memref<1x64xi32, #tpu.memory_space<vmem>> -> memref<64xi32, #tpu.memory_space<vmem>>
    %dma_wait3A_313 = arith.constant 0 : i32
    %dma_wait3A_314 = arith.constant 0 : i32
    %dma_wait3A_315 = tpu.memref_slice %arg3[%dma_wait3A_313, %dma_wait3A_314] : memref<100000x128xf32, #tpu.memory_space<hbm>> -> memref<100000x128xf32, #tpu.memory_space<hbm>>
    tpu.wait_indirect_dma semaphore(%arg15 : memref<!tpu.dma_semaphore, #tpu.memory_space<semaphore_mem>>) src(%dma_wait3A_315 : memref<100000x128xf32, #tpu.memory_space<hbm>>) dst(%dma_wait3A_309 : memref<64x128xf32, #tpu.memory_space<vmem>>)
    %scan3A_316 = arith.constant 0 : i32
    %scan3A_317 = arith.constant 64 : i32
    %scan3A_318 = arith.addi %scan3A_316, %scan3A_317 : i32
    %scan3A_319 = arith.constant 1 : i32
    %scan3A_320:8 = scf.for %scan3A_373 = %scan3A_316 to %scan3A_318 step %scan3A_319 iter_args(%scan3A_374 = %scan3A_302#0, %scan3A_375 = %scan3A_302#1, %scan3A_376 = %scan3A_302#2, %scan3A_377 = %scan3A_302#3, %scan3A_378 = %scan3A_302#4, %scan3A_379 = %scan3A_302#5, %scan3A_380 = %scan3A_302#6, %scan3A_381 = %scan3A_302#7) -> (vector<16xf32>, vector<16xf32>, vector<16xf32>, vector<16xf32>, vector<16xf32>, vector<16xf32>, vector<16xf32>, vector<16xf32>)  : i32 {
      %broadcast_in_dim3A_382 = arith.constant 320 : i32
      %broadcast_in_dim3A_383 = vector.broadcast %broadcast_in_dim3A_382 : i32 to vector<16xi32>
      %add3A_384 = vector.broadcast %scan3A_373 : i32 to vector<16xi32>
      %add3A_385 = arith.addi %broadcast_in_dim3A_383, %add3A_384 : vector<16xi32>
      %gather3A = tpu.vector_load_idx %arg5[%broadcast_in_dim3A_189, %add3A_385] : memref<4x512xf32, #tpu.memory_space<vmem>>[vector<16xi32>, vector<16xi32>], vector<16xf32>,
      %get3A = arith.constant 5 : i32
      %get3A_386 = arith.index_cast %get3A : i32 to index
      %get3A_387 = arith.index_cast %scan3A_373 : i32 to index
      %get3A_388 = arith.constant 0 : index
      %get3A_389 = tpu.vector_load %arg7[%get3A_386, %get3A_387, %get3A_388] {strides = array<i32>} : memref<6x64x128xf32, #tpu.memory_space<vmem>>, vector<16xf32>,
      %mul3A_390 = arith.mulf %get3A_389, %gather3A : vector<16xf32>
      %add3A_391 = arith.addf %scan3A_374, %mul3A_390 : vector<16xf32>
      %get3A_392 = arith.constant 5 : i32
      %get3A_393 = arith.index_cast %get3A_392 : i32 to index
      %get3A_394 = arith.index_cast %scan3A_373 : i32 to index
      %get3A_395 = arith.constant 16 : index
      %get3A_396 = tpu.vector_load %arg7[%get3A_393, %get3A_394, %get3A_395] {strides = array<i32>} : memref<6x64x128xf32, #tpu.memory_space<vmem>>, vector<16xf32>,
      %mul3A_397 = arith.mulf %get3A_396, %gather3A : vector<16xf32>
      %add3A_398 = arith.addf %scan3A_375, %mul3A_397 : vector<16xf32>
      %get3A_399 = arith.constant 5 : i32
      %get3A_400 = arith.index_cast %get3A_399 : i32 to index
      %get3A_401 = arith.index_cast %scan3A_373 : i32 to index
      %get3A_402 = arith.constant 32 : index
      %get3A_403 = tpu.vector_load %arg7[%get3A_400, %get3A_401, %get3A_402] {strides = array<i32>} : memref<6x64x128xf32, #tpu.memory_space<vmem>>, vector<16xf32>,
      %mul3A_404 = arith.mulf %get3A_403, %gather3A : vector<16xf32>
      %add3A_405 = arith.addf %scan3A_376, %mul3A_404 : vector<16xf32>
      %get3A_406 = arith.constant 5 : i32
      %get3A_407 = arith.index_cast %get3A_406 : i32 to index
      %get3A_408 = arith.index_cast %scan3A_373 : i32 to index
      %get3A_409 = arith.constant 48 : index
      %get3A_410 = tpu.vector_load %arg7[%get3A_407, %get3A_408, %get3A_409] {strides = array<i32>} : memref<6x64x128xf32, #tpu.memory_space<vmem>>, vector<16xf32>,
      %mul3A_411 = arith.mulf %get3A_410, %gather3A : vector<16xf32>
      %add3A_412 = arith.addf %scan3A_377, %mul3A_411 : vector<16xf32>
      %get3A_413 = arith.constant 5 : i32
      %get3A_414 = arith.index_cast %get3A_413 : i32 to index
      %get3A_415 = arith.index_cast %scan3A_373 : i32 to index
      %get3A_416 = arith.constant 64 : index
      %get3A_417 = tpu.vector_load %arg7[%get3A_414, %get3A_415, %get3A_416] {strides = array<i32>} : memref<6x64x128xf32, #tpu.memory_space<vmem>>, vector<16xf32>,
      %mul3A_418 = arith.mulf %get3A_417, %gather3A : vector<16xf32>
      %add3A_419 = arith.addf %scan3A_378, %mul3A_418 : vector<16xf32>
      %get3A_420 = arith.constant 5 : i32
      %get3A_421 = arith.index_cast %get3A_420 : i32 to index
      %get3A_422 = arith.index_cast %scan3A_373 : i32 to index
      %get3A_423 = arith.constant 80 : index
      %get3A_424 = tpu.vector_load %arg7[%get3A_421, %get3A_422, %get3A_423] {strides = array<i32>} : memref<6x64x128xf32, #tpu.memory_space<vmem>>, vector<16xf32>,
      %mul3A_425 = arith.mulf %get3A_424, %gather3A : vector<16xf32>
      %add3A_426 = arith.addf %scan3A_379, %mul3A_425 : vector<16xf32>
      %get3A_427 = arith.constant 5 : i32
      %get3A_428 = arith.index_cast %get3A_427 : i32 to index
      %get3A_429 = arith.index_cast %scan3A_373 : i32 to index
      %get3A_430 = arith.constant 96 : index
      %get3A_431 = tpu.vector_load %arg7[%get3A_428, %get3A_429, %get3A_430] {strides = array<i32>} : memref<6x64x128xf32, #tpu.memory_space<vmem>>, vector<16xf32>,
      %mul3A_432 = arith.mulf %get3A_431, %gather3A : vector<16xf32>
      %add3A_433 = arith.addf %scan3A_380, %mul3A_432 : vector<16xf32>
      %get3A_434 = arith.constant 5 : i32
      %get3A_435 = arith.index_cast %get3A_434 : i32 to index
      %get3A_436 = arith.index_cast %scan3A_373 : i32 to index
      %get3A_437 = arith.constant 112 : index
      %get3A_438 = tpu.vector_load %arg7[%get3A_435, %get3A_436, %get3A_437] {strides = array<i32>} : memref<6x64x128xf32, #tpu.memory_space<vmem>>, vector<16xf32>,
      %mul3A_439 = arith.mulf %get3A_438, %gather3A : vector<16xf32>
      %add3A_440 = arith.addf %scan3A_381, %mul3A_439 : vector<16xf32>
      scf.yield %add3A_391, %add3A_398, %add3A_405, %add3A_412, %add3A_419, %add3A_426, %add3A_433, %add3A_440 : vector<16xf32>, vector<16xf32>, vector<16xf32>, vector<16xf32>, vector<16xf32>, vector<16xf32>, vector<16xf32>, vector<16xf32>
    }
    %scan3A_321 = arith.constant 64 : i32
    %dma_wait3A_322 = arith.constant 6 : i32
    %dma_wait3A_323 = arith.constant 0 : i32
    %dma_wait3A_324 = arith.constant 0 : i32
    %dma_wait3A_325 = arith.constant 0 : i32
    %dma_wait3A_326 = tpu.memref_slice %arg7[%dma_wait3A_323, %dma_wait3A_324, %dma_wait3A_325] : memref<6x64x128xf32, #tpu.memory_space<vmem>> -> memref<1x64x128xf32, #tpu.memory_space<vmem>>
    %dma_wait3A_327 = tpu.memref_squeeze %dma_wait3A_326 : memref<1x64x128xf32, #tpu.memory_space<vmem>> -> memref<64x128xf32, #tpu.memory_space<vmem>>
    %dma_wait3A_328 = arith.constant 0 : i32
    %dma_wait3A_329 = tpu.memref_slice %arg6[%dma_wait3A_322, %dma_wait3A_328] : memref<8x64xi32, #tpu.memory_space<vmem>> -> memref<1x64xi32, #tpu.memory_space<vmem>>
    %dma_wait3A_330 = tpu.memref_squeeze %dma_wait3A_329 : memref<1x64xi32, #tpu.memory_space<vmem>> -> memref<64xi32, #tpu.memory_space<vmem>>
    %dma_wait3A_331 = arith.constant 0 : i32
    %dma_wait3A_332 = arith.constant 0 : i32
    %dma_wait3A_333 = tpu.memref_slice %arg3[%dma_wait3A_331, %dma_wait3A_332] : memref<100000x128xf32, #tpu.memory_space<hbm>> -> memref<100000x128xf32, #tpu.memory_space<hbm>>
    tpu.wait_indirect_dma semaphore(%arg10 : memref<!tpu.dma_semaphore, #tpu.memory_space<semaphore_mem>>) src(%dma_wait3A_333 : memref<100000x128xf32, #tpu.memory_space<hbm>>) dst(%dma_wait3A_327 : memref<64x128xf32, #tpu.memory_space<vmem>>)
    %scan3A_334 = arith.constant 0 : i32
    %scan3A_335 = arith.constant 64 : i32
    %scan3A_336 = arith.addi %scan3A_334, %scan3A_335 : i32
    %scan3A_337 = arith.constant 1 : i32
    %scan3A_338:8 = scf.for %scan3A_373 = %scan3A_334 to %scan3A_336 step %scan3A_337 iter_args(%scan3A_374 = %scan3A_320#0, %scan3A_375 = %scan3A_320#1, %scan3A_376 = %scan3A_320#2, %scan3A_377 = %scan3A_320#3, %scan3A_378 = %scan3A_320#4, %scan3A_379 = %scan3A_320#5, %scan3A_380 = %scan3A_320#6, %scan3A_381 = %scan3A_320#7) -> (vector<16xf32>, vector<16xf32>, vector<16xf32>, vector<16xf32>, vector<16xf32>, vector<16xf32>, vector<16xf32>, vector<16xf32>)  : i32 {
      %broadcast_in_dim3A_382 = arith.constant 384 : i32
      %broadcast_in_dim3A_383 = vector.broadcast %broadcast_in_dim3A_382 : i32 to vector<16xi32>
      %add3A_384 = vector.broadcast %scan3A_373 : i32 to vector<16xi32>
      %add3A_385 = arith.addi %broadcast_in_dim3A_383, %add3A_384 : vector<16xi32>
      %gather3A = tpu.vector_load_idx %arg5[%broadcast_in_dim3A_189, %add3A_385] : memref<4x512xf32, #tpu.memory_space<vmem>>[vector<16xi32>, vector<16xi32>], vector<16xf32>,
      %get3A = arith.constant 0 : i32
      %get3A_386 = arith.index_cast %get3A : i32 to index
      %get3A_387 = arith.index_cast %scan3A_373 : i32 to index
      %get3A_388 = arith.constant 0 : index
      %get3A_389 = tpu.vector_load %arg7[%get3A_386, %get3A_387, %get3A_388] {strides = array<i32>} : memref<6x64x128xf32, #tpu.memory_space<vmem>>, vector<16xf32>,
      %mul3A_390 = arith.mulf %get3A_389, %gather3A : vector<16xf32>
      %add3A_391 = arith.addf %scan3A_374, %mul3A_390 : vector<16xf32>
      %get3A_392 = arith.constant 0 : i32
      %get3A_393 = arith.index_cast %get3A_392 : i32 to index
      %get3A_394 = arith.index_cast %scan3A_373 : i32 to index
      %get3A_395 = arith.constant 16 : index
      %get3A_396 = tpu.vector_load %arg7[%get3A_393, %get3A_394, %get3A_395] {strides = array<i32>} : memref<6x64x128xf32, #tpu.memory_space<vmem>>, vector<16xf32>,
      %mul3A_397 = arith.mulf %get3A_396, %gather3A : vector<16xf32>
      %add3A_398 = arith.addf %scan3A_375, %mul3A_397 : vector<16xf32>
      %get3A_399 = arith.constant 0 : i32
      %get3A_400 = arith.index_cast %get3A_399 : i32 to index
      %get3A_401 = arith.index_cast %scan3A_373 : i32 to index
      %get3A_402 = arith.constant 32 : index
      %get3A_403 = tpu.vector_load %arg7[%get3A_400, %get3A_401, %get3A_402] {strides = array<i32>} : memref<6x64x128xf32, #tpu.memory_space<vmem>>, vector<16xf32>,
      %mul3A_404 = arith.mulf %get3A_403, %gather3A : vector<16xf32>
      %add3A_405 = arith.addf %scan3A_376, %mul3A_404 : vector<16xf32>
      %get3A_406 = arith.constant 0 : i32
      %get3A_407 = arith.index_cast %get3A_406 : i32 to index
      %get3A_408 = arith.index_cast %scan3A_373 : i32 to index
      %get3A_409 = arith.constant 48 : index
      %get3A_410 = tpu.vector_load %arg7[%get3A_407, %get3A_408, %get3A_409] {strides = array<i32>} : memref<6x64x128xf32, #tpu.memory_space<vmem>>, vector<16xf32>,
      %mul3A_411 = arith.mulf %get3A_410, %gather3A : vector<16xf32>
      %add3A_412 = arith.addf %scan3A_377, %mul3A_411 : vector<16xf32>
      %get3A_413 = arith.constant 0 : i32
      %get3A_414 = arith.index_cast %get3A_413 : i32 to index
      %get3A_415 = arith.index_cast %scan3A_373 : i32 to index
      %get3A_416 = arith.constant 64 : index
      %get3A_417 = tpu.vector_load %arg7[%get3A_414, %get3A_415, %get3A_416] {strides = array<i32>} : memref<6x64x128xf32, #tpu.memory_space<vmem>>, vector<16xf32>,
      %mul3A_418 = arith.mulf %get3A_417, %gather3A : vector<16xf32>
      %add3A_419 = arith.addf %scan3A_378, %mul3A_418 : vector<16xf32>
      %get3A_420 = arith.constant 0 : i32
      %get3A_421 = arith.index_cast %get3A_420 : i32 to index
      %get3A_422 = arith.index_cast %scan3A_373 : i32 to index
      %get3A_423 = arith.constant 80 : index
      %get3A_424 = tpu.vector_load %arg7[%get3A_421, %get3A_422, %get3A_423] {strides = array<i32>} : memref<6x64x128xf32, #tpu.memory_space<vmem>>, vector<16xf32>,
      %mul3A_425 = arith.mulf %get3A_424, %gather3A : vector<16xf32>
      %add3A_426 = arith.addf %scan3A_379, %mul3A_425 : vector<16xf32>
      %get3A_427 = arith.constant 0 : i32
      %get3A_428 = arith.index_cast %get3A_427 : i32 to index
      %get3A_429 = arith.index_cast %scan3A_373 : i32 to index
      %get3A_430 = arith.constant 96 : index
      %get3A_431 = tpu.vector_load %arg7[%get3A_428, %get3A_429, %get3A_430] {strides = array<i32>} : memref<6x64x128xf32, #tpu.memory_space<vmem>>, vector<16xf32>,
      %mul3A_432 = arith.mulf %get3A_431, %gather3A : vector<16xf32>
      %add3A_433 = arith.addf %scan3A_380, %mul3A_432 : vector<16xf32>
      %get3A_434 = arith.constant 0 : i32
      %get3A_435 = arith.index_cast %get3A_434 : i32 to index
      %get3A_436 = arith.index_cast %scan3A_373 : i32 to index
      %get3A_437 = arith.constant 112 : index
      %get3A_438 = tpu.vector_load %arg7[%get3A_435, %get3A_436, %get3A_437] {strides = array<i32>} : memref<6x64x128xf32, #tpu.memory_space<vmem>>, vector<16xf32>,
      %mul3A_439 = arith.mulf %get3A_438, %gather3A : vector<16xf32>
      %add3A_440 = arith.addf %scan3A_381, %mul3A_439 : vector<16xf32>
      scf.yield %add3A_391, %add3A_398, %add3A_405, %add3A_412, %add3A_419, %add3A_426, %add3A_433, %add3A_440 : vector<16xf32>, vector<16xf32>, vector<16xf32>, vector<16xf32>, vector<16xf32>, vector<16xf32>, vector<16xf32>, vector<16xf32>
    }
    %scan3A_339 = arith.constant 64 : i32
    %dma_wait3A_340 = arith.constant 7 : i32
    %dma_wait3A_341 = arith.constant 1 : i32
    %dma_wait3A_342 = arith.constant 0 : i32
    %dma_wait3A_343 = arith.constant 0 : i32
    %dma_wait3A_344 = tpu.memref_slice %arg7[%dma_wait3A_341, %dma_wait3A_342, %dma_wait3A_343] : memref<6x64x128xf32, #tpu.memory_space<vmem>> -> memref<1x64x128xf32, #tpu.memory_space<vmem>>
    %dma_wait3A_345 = tpu.memref_squeeze %dma_wait3A_344 : memref<1x64x128xf32, #tpu.memory_space<vmem>> -> memref<64x128xf32, #tpu.memory_space<vmem>>
    %dma_wait3A_346 = arith.constant 0 : i32
    %dma_wait3A_347 = tpu.memref_slice %arg6[%dma_wait3A_340, %dma_wait3A_346] : memref<8x64xi32, #tpu.memory_space<vmem>> -> memref<1x64xi32, #tpu.memory_space<vmem>>
    %dma_wait3A_348 = tpu.memref_squeeze %dma_wait3A_347 : memref<1x64xi32, #tpu.memory_space<vmem>> -> memref<64xi32, #tpu.memory_space<vmem>>
    %dma_wait3A_349 = arith.constant 0 : i32
    %dma_wait3A_350 = arith.constant 0 : i32
    %dma_wait3A_351 = tpu.memref_slice %arg3[%dma_wait3A_349, %dma_wait3A_350] : memref<100000x128xf32, #tpu.memory_space<hbm>> -> memref<100000x128xf32, #tpu.memory_space<hbm>>
    tpu.wait_indirect_dma semaphore(%arg11 : memref<!tpu.dma_semaphore, #tpu.memory_space<semaphore_mem>>) src(%dma_wait3A_351 : memref<100000x128xf32, #tpu.memory_space<hbm>>) dst(%dma_wait3A_345 : memref<64x128xf32, #tpu.memory_space<vmem>>)
    %scan3A_352 = arith.constant 0 : i32
    %scan3A_353 = arith.constant 64 : i32
    %scan3A_354 = arith.addi %scan3A_352, %scan3A_353 : i32
    %scan3A_355 = arith.constant 1 : i32
    %scan3A_356:8 = scf.for %scan3A_373 = %scan3A_352 to %scan3A_354 step %scan3A_355 iter_args(%scan3A_374 = %scan3A_338#0, %scan3A_375 = %scan3A_338#1, %scan3A_376 = %scan3A_338#2, %scan3A_377 = %scan3A_338#3, %scan3A_378 = %scan3A_338#4, %scan3A_379 = %scan3A_338#5, %scan3A_380 = %scan3A_338#6, %scan3A_381 = %scan3A_338#7) -> (vector<16xf32>, vector<16xf32>, vector<16xf32>, vector<16xf32>, vector<16xf32>, vector<16xf32>, vector<16xf32>, vector<16xf32>)  : i32 {
      %broadcast_in_dim3A_382 = arith.constant 448 : i32
      %broadcast_in_dim3A_383 = vector.broadcast %broadcast_in_dim3A_382 : i32 to vector<16xi32>
      %add3A_384 = vector.broadcast %scan3A_373 : i32 to vector<16xi32>
      %add3A_385 = arith.addi %broadcast_in_dim3A_383, %add3A_384 : vector<16xi32>
      %gather3A = tpu.vector_load_idx %arg5[%broadcast_in_dim3A_189, %add3A_385] : memref<4x512xf32, #tpu.memory_space<vmem>>[vector<16xi32>, vector<16xi32>], vector<16xf32>,
      %get3A = arith.constant 1 : i32
      %get3A_386 = arith.index_cast %get3A : i32 to index
      %get3A_387 = arith.index_cast %scan3A_373 : i32 to index
      %get3A_388 = arith.constant 0 : index
      %get3A_389 = tpu.vector_load %arg7[%get3A_386, %get3A_387, %get3A_388] {strides = array<i32>} : memref<6x64x128xf32, #tpu.memory_space<vmem>>, vector<16xf32>,
      %mul3A_390 = arith.mulf %get3A_389, %gather3A : vector<16xf32>
      %add3A_391 = arith.addf %scan3A_374, %mul3A_390 : vector<16xf32>
      %get3A_392 = arith.constant 1 : i32
      %get3A_393 = arith.index_cast %get3A_392 : i32 to index
      %get3A_394 = arith.index_cast %scan3A_373 : i32 to index
      %get3A_395 = arith.constant 16 : index
      %get3A_396 = tpu.vector_load %arg7[%get3A_393, %get3A_394, %get3A_395] {strides = array<i32>} : memref<6x64x128xf32, #tpu.memory_space<vmem>>, vector<16xf32>,
      %mul3A_397 = arith.mulf %get3A_396, %gather3A : vector<16xf32>
      %add3A_398 = arith.addf %scan3A_375, %mul3A_397 : vector<16xf32>
      %get3A_399 = arith.constant 1 : i32
      %get3A_400 = arith.index_cast %get3A_399 : i32 to index
      %get3A_401 = arith.index_cast %scan3A_373 : i32 to index
      %get3A_402 = arith.constant 32 : index
      %get3A_403 = tpu.vector_load %arg7[%get3A_400, %get3A_401, %get3A_402] {strides = array<i32>} : memref<6x64x128xf32, #tpu.memory_space<vmem>>, vector<16xf32>,
      %mul3A_404 = arith.mulf %get3A_403, %gather3A : vector<16xf32>
      %add3A_405 = arith.addf %scan3A_376, %mul3A_404 : vector<16xf32>
      %get3A_406 = arith.constant 1 : i32
      %get3A_407 = arith.index_cast %get3A_406 : i32 to index
      %get3A_408 = arith.index_cast %scan3A_373 : i32 to index
      %get3A_409 = arith.constant 48 : index
      %get3A_410 = tpu.vector_load %arg7[%get3A_407, %get3A_408, %get3A_409] {strides = array<i32>} : memref<6x64x128xf32, #tpu.memory_space<vmem>>, vector<16xf32>,
      %mul3A_411 = arith.mulf %get3A_410, %gather3A : vector<16xf32>
      %add3A_412 = arith.addf %scan3A_377, %mul3A_411 : vector<16xf32>
      %get3A_413 = arith.constant 1 : i32
      %get3A_414 = arith.index_cast %get3A_413 : i32 to index
      %get3A_415 = arith.index_cast %scan3A_373 : i32 to index
      %get3A_416 = arith.constant 64 : index
      %get3A_417 = tpu.vector_load %arg7[%get3A_414, %get3A_415, %get3A_416] {strides = array<i32>} : memref<6x64x128xf32, #tpu.memory_space<vmem>>, vector<16xf32>,
      %mul3A_418 = arith.mulf %get3A_417, %gather3A : vector<16xf32>
      %add3A_419 = arith.addf %scan3A_378, %mul3A_418 : vector<16xf32>
      %get3A_420 = arith.constant 1 : i32
      %get3A_421 = arith.index_cast %get3A_420 : i32 to index
      %get3A_422 = arith.index_cast %scan3A_373 : i32 to index
      %get3A_423 = arith.constant 80 : index
      %get3A_424 = tpu.vector_load %arg7[%get3A_421, %get3A_422, %get3A_423] {strides = array<i32>} : memref<6x64x128xf32, #tpu.memory_space<vmem>>, vector<16xf32>,
      %mul3A_425 = arith.mulf %get3A_424, %gather3A : vector<16xf32>
      %add3A_426 = arith.addf %scan3A_379, %mul3A_425 : vector<16xf32>
      %get3A_427 = arith.constant 1 : i32
      %get3A_428 = arith.index_cast %get3A_427 : i32 to index
      %get3A_429 = arith.index_cast %scan3A_373 : i32 to index
      %get3A_430 = arith.constant 96 : index
      %get3A_431 = tpu.vector_load %arg7[%get3A_428, %get3A_429, %get3A_430] {strides = array<i32>} : memref<6x64x128xf32, #tpu.memory_space<vmem>>, vector<16xf32>,
      %mul3A_432 = arith.mulf %get3A_431, %gather3A : vector<16xf32>
      %add3A_433 = arith.addf %scan3A_380, %mul3A_432 : vector<16xf32>
      %get3A_434 = arith.constant 1 : i32
      %get3A_435 = arith.index_cast %get3A_434 : i32 to index
      %get3A_436 = arith.index_cast %scan3A_373 : i32 to index
      %get3A_437 = arith.constant 112 : index
      %get3A_438 = tpu.vector_load %arg7[%get3A_435, %get3A_436, %get3A_437] {strides = array<i32>} : memref<6x64x128xf32, #tpu.memory_space<vmem>>, vector<16xf32>,
      %mul3A_439 = arith.mulf %get3A_438, %gather3A : vector<16xf32>
      %add3A_440 = arith.addf %scan3A_381, %mul3A_439 : vector<16xf32>
      scf.yield %add3A_391, %add3A_398, %add3A_405, %add3A_412, %add3A_419, %add3A_426, %add3A_433, %add3A_440 : vector<16xf32>, vector<16xf32>, vector<16xf32>, vector<16xf32>, vector<16xf32>, vector<16xf32>, vector<16xf32>, vector<16xf32>
    }
    %scan3A_357 = arith.constant 64 : i32
    %swap3A = arith.constant 0 : index
    %swap3A_358 = tpu.vector_load %arg8[%swap3A] {strides = array<i32>} : memref<128xf32, #tpu.memory_space<vmem>>, vector<16xf32>,
    tpu.vector_store %arg8[%swap3A], %scan3A_356#0 {strides = array<i32>} : memref<128xf32, #tpu.memory_space<vmem>>, vector<16xf32>,
    %swap3A_359 = arith.constant 16 : index
    %swap3A_360 = tpu.vector_load %arg8[%swap3A_359] {strides = array<i32>} : memref<128xf32, #tpu.memory_space<vmem>>, vector<16xf32>,
    tpu.vector_store %arg8[%swap3A_359], %scan3A_356#1 {strides = array<i32>} : memref<128xf32, #tpu.memory_space<vmem>>, vector<16xf32>,
    %swap3A_361 = arith.constant 32 : index
    %swap3A_362 = tpu.vector_load %arg8[%swap3A_361] {strides = array<i32>} : memref<128xf32, #tpu.memory_space<vmem>>, vector<16xf32>,
    tpu.vector_store %arg8[%swap3A_361], %scan3A_356#2 {strides = array<i32>} : memref<128xf32, #tpu.memory_space<vmem>>, vector<16xf32>,
    %swap3A_363 = arith.constant 48 : index
    %swap3A_364 = tpu.vector_load %arg8[%swap3A_363] {strides = array<i32>} : memref<128xf32, #tpu.memory_space<vmem>>, vector<16xf32>,
    tpu.vector_store %arg8[%swap3A_363], %scan3A_356#3 {strides = array<i32>} : memref<128xf32, #tpu.memory_space<vmem>>, vector<16xf32>,
    %swap3A_365 = arith.constant 64 : index
    %swap3A_366 = tpu.vector_load %arg8[%swap3A_365] {strides = array<i32>} : memref<128xf32, #tpu.memory_space<vmem>>, vector<16xf32>,
    tpu.vector_store %arg8[%swap3A_365], %scan3A_356#4 {strides = array<i32>} : memref<128xf32, #tpu.memory_space<vmem>>, vector<16xf32>,
    %swap3A_367 = arith.constant 80 : index
    %swap3A_368 = tpu.vector_load %arg8[%swap3A_367] {strides = array<i32>} : memref<128xf32, #tpu.memory_space<vmem>>, vector<16xf32>,
    tpu.vector_store %arg8[%swap3A_367], %scan3A_356#5 {strides = array<i32>} : memref<128xf32, #tpu.memory_space<vmem>>, vector<16xf32>,
    %swap3A_369 = arith.constant 96 : index
    %swap3A_370 = tpu.vector_load %arg8[%swap3A_369] {strides = array<i32>} : memref<128xf32, #tpu.memory_space<vmem>>, vector<16xf32>,
    tpu.vector_store %arg8[%swap3A_369], %scan3A_356#6 {strides = array<i32>} : memref<128xf32, #tpu.memory_space<vmem>>, vector<16xf32>,
    %swap3A_371 = arith.constant 112 : index
    %swap3A_372 = tpu.vector_load %arg8[%swap3A_371] {strides = array<i32>} : memref<128xf32, #tpu.memory_space<vmem>>, vector<16xf32>,
    tpu.vector_store %arg8[%swap3A_371], %scan3A_356#7 {strides = array<i32>} : memref<128xf32, #tpu.memory_space<vmem>>, vector<16xf32>,
    "tpu.region"() ({
      %run_scoped3A = tpu.sem_alloc : memref<!tpu.dma_semaphore, #tpu.memory_space<semaphore_mem>>
      %dma_start3A_373 = arith.constant 0 : i32
      %dma_start3A_374 = tpu.memref_slice %arg4[%add3A, %dma_start3A_373] : memref<32x128xf32, #tpu.memory_space<hbm>> -> memref<1x128xf32, #tpu.memory_space<hbm>>
      %dma_start3A_375 = tpu.memref_squeeze %dma_start3A_374 : memref<1x128xf32, #tpu.memory_space<hbm>> -> memref<128xf32, #tpu.memory_space<hbm>>
      %dma_start3A_376 = arith.constant 0 : i32
      %dma_start3A_377 = tpu.memref_slice %arg4[%add3A, %dma_start3A_376] : memref<32x128xf32, #tpu.memory_space<hbm>> -> memref<1x128xf32, #tpu.memory_space<hbm>>
      %dma_start3A_378 = tpu.memref_squeeze %dma_start3A_377 : memref<1x128xf32, #tpu.memory_space<hbm>> -> memref<128xf32, #tpu.memory_space<hbm>>
      tpu.enqueue_dma source(%arg8 : memref<128xf32, #tpu.memory_space<vmem>>) target(%dma_start3A_378 : memref<128xf32, #tpu.memory_space<hbm>>) target_semaphore(%run_scoped3A : memref<!tpu.dma_semaphore, #tpu.memory_space<semaphore_mem>>)
      %dma_wait3A_379 = arith.constant 0 : i32
      %dma_wait3A_380 = tpu.memref_slice %arg4[%add3A, %dma_wait3A_379] : memref<32x128xf32, #tpu.memory_space<hbm>> -> memref<1x128xf32, #tpu.memory_space<hbm>>
      %dma_wait3A_381 = tpu.memref_squeeze %dma_wait3A_380 : memref<1x128xf32, #tpu.memory_space<hbm>> -> memref<128xf32, #tpu.memory_space<hbm>>
      %dma_wait3A_382 = arith.constant 0 : i32
      %dma_wait3A_383 = tpu.memref_slice %arg4[%add3A, %dma_wait3A_382] : memref<32x128xf32, #tpu.memory_space<hbm>> -> memref<1x128xf32, #tpu.memory_space<hbm>>
      %dma_wait3A_384 = tpu.memref_squeeze %dma_wait3A_383 : memref<1x128xf32, #tpu.memory_space<hbm>> -> memref<128xf32, #tpu.memory_space<hbm>>
      tpu.wait_dma2 semaphore(%run_scoped3A : memref<!tpu.dma_semaphore, #tpu.memory_space<semaphore_mem>>) src(%arg8 : memref<128xf32, #tpu.memory_space<vmem>>) dst(%dma_wait3A_384 : memref<128xf32, #tpu.memory_space<hbm>>)
      tpu.yield
    }) : () -> ()
    return
  }
}

</mosaic_0001>

<sc_bundles>
// kernel: kernel.3.cloned.1.call-start
scs
__scs_entry_jumppad:
0x0: {  	(pc) =	sbr.rel $0x88, $3  }
0x1: {  	(tag) =	ssettag $0x0;
	lr =	simm.s32 $0x1  }
0x2: {  	[smem:$0x3F9F] =	sst lr;
	_ =	strace $0xD0000000  }
0x3: {  	_ = 	snop  }
0x4: {  	_ = 	snop  }
0x5: {  	_ = 	snop  }
0x6: {  	_ = 	snop  }
0x7: {  	_ = 	snop  }
__scs_overlays_trampoline_lowered:
0x8: {  	[smem:$0x3FAE] =	sst s0  }
0x9: {  	[smem:$0x3FAF] =	sst s1  }
0xa: {  	[smem:$0x3FB0] =	sst s2  }
0xb: {  	[smem:$0x3FB1] =	sst s3  }
0xc: {  	[smem:$0x3FB2] =	sst s4  }
0xd: {  	[smem:$0x3FB3] =	sst s5  }
0xe: {  	[smem:$0x3FB4] =	sst s6  }
0xf: {  	[smem:$0x3FB5] =	sst s7  }
0x10: {  	[smem:$0x3FB6] =	sst s8  }
0x11: {  	[smem:$0x3FB7] =	sst s9;
	s0 =	simm.s32 @!p0 $0x0  }
0x12: {  	s1 =	sld [smem:$0x3F9D];
	s0 =	simm.s32 @p0 $0x1  }
0x13: {  	[smem:$0x3FB8] =	sst s0;
	s0 =	simm.s32 @!p1 $0x0  }
0x14: {  	s2 =	sld [smem:$0x3F9C];
	s0 =	simm.s32 @p1 $0x1  }
0x15: {  	[smem:$0x3FB9] =	sst s0;
	s0 =	simm.s32 @!p2 $0x0  }
0x16: {  	s3 =	sld [smem:$0x3FDB];
	s0 =	simm.s32 @p2 $0x1  }
0x17: {  	s4 =	simm.s32 $0x1BF5;
	[smem:$0x3FBB] =	sst s0  }
0x18: {  	s0 =	sld [smem:$0x3F9E];
	_ =	swait.ge [sflag:s4], $0x0  }
0x19: {  	s7 =	sld [smem:$0x3F9F]  }
0x1a: {  	s8 =	sadd.s32 $0xFFFFE003, lr  }
0x1b: {  	s9 =	sadd.s32 $0xFFFFFEF7, lr;
	s5 =	simm.s32 $0xFFFFFFFF;
	p2 =	slt.u32 s8, $0xFFFFF086  }
0x1c: {  	p1 =	slt.u32 s9, $0xF7A;
	s5 =	simm.s32 @!p2 $0x0  }
0x1d: {  	s5 =	simm.s32 @p1 $0x1;
	p0 =	seq.s32 s7, s2  }
0x1e: {  	s7 =	smul.u32 @!p0 $0xF7A, s2;
	p2 =	seq.s32 @!p0 s5, $0x0  }
0x1f: {  	s9 =	smul.u32 $0xF7A, s1;
	s8 =	simm.s32 @!p0 $0x1BF5;
	p2 =	por !p2, p0  }
0x20: {  	[sflag:s8] =	ssyncset.s32 @!p0 $0xFFFFF086;
	s6 =	sadd.s32 @!p0 s3, s7;
	s7 =	simm.s32 @!p0 $0x108  }
0x21: {  	s3 =	sadd.s32 s3, s9;
	s6 =	sadd.s32 @!p0 $0x88, s6;
	s7 =	simm.s32 @p2 $0x1082  }
0x22: {  	[simem:s7], [sflag:s8] =	dma.local @!p0 [hbm:s6], $0xF7A  }
0x23: {  	s9 =	sor.u32 $0xD0000000, s2;
	s6 =	simm.s32 $0x108;
	_ =	swait.ge @!p0 [sflag:s8], $0x0  }
0x24: {  	s3 =	sadd.s32 $0x88, s3;
	s6 =	simm.s32 @!p1 $0x1082;
	[sflag:s4] =	ssyncset.s32 $0xFFFFF086  }
0x25: {  	[simem:s6], [sflag:s4] =	dma.local [hbm:s3], $0xF7A  }
0x26: {  	[smem:$0x3F9F] =	sst s1;
	(tag) =	ssettag s2;
	_ =	strace s9  }
0x27: {  	s1 =	sld [smem:$0x3FAF]  }
0x28: {  	s2 =	sld [smem:$0x3FB0]  }
0x29: {  	s4 =	sld [smem:$0x3FB2]  }
0x2a: {  	p0 =	seq.s32 s5, $0x0;
	s5 =	sld [smem:$0x3FB3]  }
0x2b: {  	s6 =	sld [smem:$0x3FB4]  }
0x2c: {  	s7 =	sld [smem:$0x3FB5]  }
0x2d: {  	s3 =	simm.s32 $0x108;
	s8 =	sld [smem:$0x3FB6]  }
0x2e: {  	s3 =	simm.s32 @!p0 $0x1082;
	s9 =	sld [smem:$0x3FB7]  }
0x2f: {  	lr =	sadd.s32 s0, s3;
	s0 =	sld [smem:$0x3FAE]  }
0x30: {  	s3 =	sld [smem:$0x3FB1]  }
0x31: {  	[smem:$0x3FBA] =	sst s10  }
0x32: {  	s10 =	sld [smem:$0x3FB8];
	_ =	sdelay $0x3  }
0x33: {  	p0 =	seq.s32 s10, $0x1;
	s10 =	sld [smem:$0x3FBA];
	_ =	sdelay $0x3  }
0x34: {  	[smem:$0x3FBA] =	sst s10  }
0x35: {  	s10 =	sld [smem:$0x3FB9];
	_ =	sdelay $0x3  }
0x36: {  	p1 =	seq.s32 s10, $0x1;
	s10 =	sld [smem:$0x3FBA];
	_ =	sdelay $0x3  }
0x37: {  	[smem:$0x3FBA] =	sst s10  }
0x38: {  	s10 =	sld [smem:$0x3FBB]  }
0x39: {  	_ = 	snop;
	(pc) =	sbr.ind lr, $3  }
0x3a: {  	_ = 	snop  }
0x3b: {  	_ = 	snop  }
0x3c: {  	p2 =	seq.s32 s10, $0x1;
	s10 =	sld [smem:$0x3FBA]  }
0x3d: {  	_ =	shalt  }
0x3e: {  	_ =	shalt  }
0x3f: {  	_ =	shalt  }
0x40: {  	_ =	shalt  }
0x41: {  	_ =	shalt  }
0x42: {  	_ =	shalt  }
0x43: {  	_ =	shalt  }
0x44: {  	_ =	shalt  }
0x45: {  	_ =	shalt  }
0x46: {  	_ =	shalt  }
0x47: {  	_ =	shalt  }
0x48: {  	_ =	shalt  }
0x49: {  	_ =	shalt  }
0x4a: {  	_ =	shalt  }
0x4b: {  	_ =	shalt  }
0x4c: {  	_ =	shalt  }
0x4d: {  	_ =	shalt  }
0x4e: {  	_ =	shalt  }
0x4f: {  	_ =	shalt  }
0x50: {  	_ =	shalt  }
0x51: {  	_ =	shalt  }
0x52: {  	_ =	shalt  }
0x53: {  	_ =	shalt  }
0x54: {  	_ =	shalt  }
0x55: {  	_ =	shalt  }
0x56: {  	_ =	shalt  }
0x57: {  	_ =	shalt  }
0x58: {  	_ =	shalt  }
0x59: {  	_ =	shalt  }
0x5a: {  	_ =	shalt  }
0x5b: {  	_ =	shalt  }
0x5c: {  	_ =	shalt  }
0x5d: {  	_ =	shalt  }
0x5e: {  	_ =	shalt  }
0x5f: {  	_ =	shalt  }
0x60: {  	_ =	shalt  }
0x61: {  	_ =	shalt  }
0x62: {  	_ =	shalt  }
0x63: {  	_ =	shalt  }
0x64: {  	_ =	shalt  }
0x65: {  	_ =	shalt  }
0x66: {  	_ =	shalt  }
0x67: {  	_ =	shalt  }
0x68: {  	_ =	shalt  }
0x69: {  	_ =	shalt  }
0x6a: {  	_ =	shalt  }
0x6b: {  	_ =	shalt  }
0x6c: {  	_ =	shalt  }
0x6d: {  	_ =	shalt  }
0x6e: {  	_ =	shalt  }
0x6f: {  	_ =	shalt  }
0x70: {  	_ =	shalt  }
0x71: {  	_ =	shalt  }
0x72: {  	_ =	shalt  }
0x73: {  	_ =	shalt  }
0x74: {  	_ =	shalt  }
0x75: {  	_ =	shalt  }
0x76: {  	_ =	shalt  }
0x77: {  	_ =	shalt  }
0x78: {  	_ =	shalt  }
0x79: {  	_ =	shalt  }
0x7a: {  	_ =	shalt  }
0x7b: {  	_ =	shalt  }
0x7c: {  	_ =	shalt  }
0x7d: {  	_ =	shalt  }
0x7e: {  	_ =	shalt  }
0x7f: {  	_ =	shalt  }
0x80: {  	_ =	shalt  }
0x81: {  	_ =	shalt  }
0x82: {  	_ =	shalt  }
0x83: {  	_ =	shalt  }
0x84: {  	_ =	shalt  }
0x85: {  	_ =	shalt  }
0x86: {  	_ =	shalt  }
0x87: {  	_ =	shalt  }
.Lfunc_end0:
.L_simem_size_0:
called_computation_lowered:
.L_overlay_start_0:
0x88: {  	s2 =	sld [smem:$0x3FD9]  }
0x89: {  	s3 =	sld [smem:$0x3FFE];
	_ =	sdelay $0x1  }
0x8a: {  	s1 =	srdreg.scid  }
0x8b: {  	s0 =	sand.u32 $0x1, s1  }
0x8c: {  	s17 =	sshll.u32 s0, $0xA;
	s2 =	sadd.s32 s3, s2  }
0x8d: {  	s2 =	sadd.s32 s2, s17  }
0x8e: {  	[smem:$0x3FC6] =	sst s2  }
0x8f: {  	_ = 	snop  }
0x90: {  	s2 =	sld [smem:$0x3FC9]  }
0x91: {  	s18 =	sld [smem:$0x3FC8];
	(tm) =	ssettm $0x1  }
0x92: {  	s4 =	sld [smem:$0x3FFB];
	_ =	sdelay $0x3  }
0x93: {  	_ =	strace s4  }
0x94: {  	s4 =	sld [smem:$0x3FFC];
	_ =	sdelay $0x3  }
0x95: {  	_ =	strace s4  }
0x96: {  	s4 =	sld [smem:$0x3FFD];
	_ =	sdelay $0x3  }
0x97: {  	_ =	strace s4  }
0x98: {  	_ =	strace $0x8FFFFFFF  }
0x99: {  	s19 =	sld [smem:$0x3FDB];
	_ =	sdelay $0x1  }
0x9a: {  	s5 =	simm.s32 $_scs_section_size  }
0x9b: {  	s6 =	simm.s32 $_size__tile_overlayer_lowered;
	s7 =	simm.s32 $_tile_overlayer_lowered  }
0x9c: {  	s22 =	simm.s32 $0x1BFF;
	s21 =	sshll.u32 s7, $0x1;
	s4 =	sadd.s32 s5, s19  }
0x9d: {  	s8 =	simm.s32 $0x0;
	s20 =	sshll.u32 s6, $0x1;
	s6 =	sadd.s32 s21, s4  }
0x9e: {  	[timem:s8], [sflag:s22] =	dma.local [hbm:s6], s20  }
0x9f: {  	_ =	swait.ge [sflag:s22], s20  }
0xa0: {  	s5 =	ssub.s32 $0x0, s20;
	[sflag:s22] =	ssyncset.done $0x0  }
0xa1: {  	[sflag:s22] =	ssyncadd.s32 s5;
	_ =	sdelay $0x1  }
0xa2: {  	s23 =	simm.s32 $0x1B8B  }
0xa3: {  	_ =	swait.ge [sflag:s23], $0x1  }
0xa4: {  	[sflag:s23] =	ssyncset.done $0x0  }
0xa5: {  	s25 =	simm.s32 $0x1B8E;
	s24 =	sld [smem:$0x3FFE];
	[sflag:s23] =	ssyncadd.s32 $0xFFFFFFFF  }
0xa6: {  	s26 =	simm.s32 $execute0_lowered;
	[smem:$0x3FD2] =	sst s25  }
0xa7: {  	s6 =	sshll.u32 s26, $0x1;
	_ =	strace $0x80000046;
	[dreg:$0x1] =	wrdreg $0xFFFFFFFF  }
0xa8: {  	s28 =	simm.s32 $_size_execute0_lowered;
	s4 =	sadd.s32 s4, s6;
	[dreg:$0x0] =	wrdreg $0x0  }
0xa9: {  	s6 =	sshll.u32 s28, $0x1;
	[dreg:$0x2] =	wrdreg s4  }
0xaa: {  	[dreg:$0x3] =	wrdreg s6  }
0xab: {  	[dreg:$0x4] =	wrdreg $0xC0  }
0xac: {  	_ =	task [dreg:s8], $0x5FFFF  }
0xad: {  	[dreg:$0x1] =	wrdreg $0xFFFFFFFF  }
0xae: {  	[dreg:$0x0] =	wrdreg $0x60  }
0xaf: {  	[dreg:$0x2] =	wrdreg s2  }
0xb0: {  	[dreg:$0x3] =	wrdreg s18  }
0xb1: {  	[dreg:$0x4] =	wrdreg s24  }
0xb2: {  	[dreg:$0x5] =	wrdreg $0x9  }
0xb3: {  	_ =	task.clear_ibuf [dreg:s8], $0x6FFFF;
	_ =	strace $0x90000046  }
0xb4: {  	s29 =	simm.s32 $0x9;
	_ =	strace $0x80000048  }
0xb5: {  	_ =	swait.ge [sflag:s29], $0x1  }
0xb6: {  	[sflag:s29] =	ssyncadd.s32 $0xFFFFFFFF  }
0xb7: {  	_ =	strace $0x90000048  }
0xb8: {  	_ =	sfence  }
0xb9: {  	s30 =	sld [smem:$0x0];
	_ =	sdelay $0x2  }
0xba: {  	s31 =	sshll.u32 s1, $0xD;
	s1 =	sshrl.u32 s1, $0x2  }
0xbb: {  	s3 =	sand.u32 $0x4000, s31;
	s1 =	sadd.s32 s1, s30  }
0xbc: {  	s0 =	sor.u32 s3, s0;
	s1 =	sshll.u32 s1, $0x11  }
0xbd: {  	s0 =	sor.u32 s1, s0  }
0xbe: {  	s0 =	sadd.s32 $0x8F2B, s0  }
0xbf: {  	[sflag:s0] =	ssyncadd.remote.s32 $0x1  }
0xc0: {  	_ =	sfence.sel $0xFFFF  }
0xc1: {  	[dreg:$0x0] =	wrdreg $0xFFFFFFFF;
	(pc) =	sbr.abs _section_cstart, $3  }
0xc2: {  	[dreg:$0x1] =	wrdreg $0xFFFFFFFF  }
0xc3: {  	_ =	task.clear_ibuf [dreg:s8], $0x2FFFF;
	_ =	strace $0x9FFFFFFF  }
0xc4: {  	(tm) =	ssettm $0x7FFFFFFF  }
0xc5: {  	_ =	shalt  }
tec
execute0_lowered:
.L_overlay_start_1:
0x0: {  	(tag) =	ssettag $0x1  }
0x1: {  	s0 =	rddreg [dreg:$0x0]  }
0x2: {  	s2 =	rddreg [dreg:$0x1]  }
0x3: {  	s1 =	srdreg.scid;
	s3 =	stileid.u32  }
0x4: {  	s5 =	rddreg [dreg:$0x2];
	s28 =	simm.s32 $0x40;
	s30 =	simm.s32 $0xC00  }
0x5: {  	s29 =	simm.s32 $0x4;
	s1 =	sand.u32 $0x1, s1;
	s3 =	sshll.u32 s3, $0x1  }
0x6: {  	s31 =	simm.s32 $0x5;
	s6 =	sor.u32 s1, s3;
	s3 =	simm.s32 $0x0  }
0x7: {  	s1 =	ssub.s32 $0x2, s1;
	s4 =	sshll.u32 s6, $0x8;
	[smem:$0x7FF] =	sst s3  }
0x8: {  	s7 =	sshrl.u32 s1, $0x1;
	s22 =	sshll.u32 s6, $0x4;
	s4 =	sadd.s32 s0, s4  }
0x9: {  	_ =	strace $0x80000047;
	s18 =	ssub.s32 s1, s7;
	s1 =	sadd.s32 s5, s22  }
0xa: {  	s22 =	simm.s32 $0x2;
	s19 =	sadd.s32 $0x10, s4;
	[dreg:$0x7] =	wrdreg s1  }
0xb: {  	s5 =	simm.s32 $0x0;
	s20 =	sadd.s32 $0x20, s4;
	[dreg:$0x4] =	wrdreg s19  }
0xc: {  	s21 =	sadd.s32 $0x30, s4;
	s0 =	smax.u32 s18, $0x1;
	[dreg:$0x5] =	wrdreg s20  }
0xd: {  	s23 =	sadd.s32 $0x40, s4;
	s24 =	sadd.s32 $0x80, s4;
	[dreg:$0x6] =	wrdreg s21  }
0xe: {  	s25 =	sadd.s32 $0xC0, s4;
	s26 =	sadd.s32 $0x50, s4;
	[dreg:$0x8] =	wrdreg s0  }
0xf: {  	s14 =	sadd.s32 $0x90, s4;
	s15 =	sadd.s32 $0xD0, s4;
	[dreg:$0x9] =	wrdreg s23  }
0x10: {  	s16 =	sadd.s32 $0x60, s4;
	s17 =	sadd.s32 $0xA0, s4;
	[dreg:$0xa] =	wrdreg s24  }
0x11: {  	s18 =	sadd.s32 $0xE0, s4;
	s1 =	simm.s32 $0x2C00;
	[dreg:$0xb] =	wrdreg s25  }
0x12: {  	[dreg:$0xc] =	wrdreg s26;
	s19 =	sadd.s32 $0x70, s4;
	s20 =	sadd.s32 $0xB0, s4  }
0x13: {  	s21 =	sadd.s32 $0xF0, s4;
	s26 =	simm.s32 $0x1;
	s24 =	simm.s32 $0x3  }
0x14: {  	s0 =	simm.s32 $0x6;
	s23 =	simm.s32 $0x7;
	s25 =	simm.s32 $0x8  }
.LBB2_1:
0x15: {  	[tilespmem:s3], [sflag:$0x1] =	stream.linear.gather [hbm4b:s4+s3], $0x80, $0x38;
	[tilespmem:$0xCC80] =	vst v63  }
0x16: {  	s6 =	rddreg [dreg:$0x9];
	s7 =	simm.s32 $0x200  }
0x17: {  	[tilespmem:s7], [sflag:$0x1] =	stream.linear.gather [hbm4b:s6+s3], $0x80, $0x38;
	[tilespmem:$0xCC80] =	vst v63  }
0x18: {  	s12 =	rddreg [dreg:$0xa];
	s13 =	simm.s32 $0x400  }
0x19: {  	[tilespmem:s13], [sflag:$0x1] =	stream.linear.gather [hbm4b:s12+s3], $0x80, $0x38;
	[tilespmem:$0xCC80] =	vst v63  }
0x1a: {  	s8 =	rddreg [dreg:$0xb];
	s9 =	simm.s32 $0x600  }
0x1b: {  	[tilespmem:s9], [sflag:$0x1] =	stream.linear.gather [hbm4b:s8+s3], $0x80, $0x38;
	[tilespmem:$0xCC80] =	vst v63  }
0x1c: {  	s10 =	rddreg [dreg:$0x4];
	s11 =	simm.s32 $0x80  }
0x1d: {  	[tilespmem:s11], [sflag:$0x1] =	stream.linear.gather [hbm4b:s10+s3], $0x80, $0x38;
	[tilespmem:$0xCC80] =	vst v63  }
0x1e: {  	s12 =	rddreg [dreg:$0xc];
	s13 =	simm.s32 $0x280  }
0x1f: {  	[tilespmem:s13], [sflag:$0x1] =	stream.linear.gather [hbm4b:s12+s3], $0x80, $0x38;
	[tilespmem:$0xCC80] =	vst v63  }
0x20: {  	s7 =	simm.s32 $0x480  }
0x21: {  	[tilespmem:s7], [sflag:$0x1] =	stream.linear.gather [hbm4b:s14+s3], $0x80, $0x38;
	[tilespmem:$0xCC80] =	vst v63  }
0x22: {  	s8 =	simm.s32 $0x680  }
0x23: {  	[tilespmem:s8], [sflag:$0x1] =	stream.linear.gather [hbm4b:s15+s3], $0x80, $0x38;
	[tilespmem:$0xCC80] =	vst v63  }
0x24: {  	s9 =	rddreg [dreg:$0x5];
	s10 =	simm.s32 $0x100  }
0x25: {  	[tilespmem:s10], [sflag:$0x1] =	stream.linear.gather [hbm4b:s9+s3], $0x80, $0x38;
	[tilespmem:$0xCC80] =	vst v63  }
0x26: {  	s11 =	simm.s32 $0x300  }
0x27: {  	[tilespmem:s11], [sflag:$0x1] =	stream.linear.gather [hbm4b:s16+s3], $0x80, $0x38;
	[tilespmem:$0xCC80] =	vst v63  }
0x28: {  	s12 =	simm.s32 $0x500  }
0x29: {  	[tilespmem:s12], [sflag:$0x1] =	stream.linear.gather [hbm4b:s17+s3], $0x80, $0x38;
	[tilespmem:$0xCC80] =	vst v63  }
0x2a: {  	s13 =	simm.s32 $0x700  }
0x2b: {  	[tilespmem:s13], [sflag:$0x1] =	stream.linear.gather [hbm4b:s18+s3], $0x80, $0x38;
	[tilespmem:$0xCC80] =	vst v63  }
0x2c: {  	s7 =	rddreg [dreg:$0x6];
	s8 =	simm.s32 $0x180  }
0x2d: {  	[tilespmem:s8], [sflag:$0x1] =	stream.linear.gather [hbm4b:s7+s3], $0x80, $0x38;
	[tilespmem:$0xCC80] =	vst v63  }
0x2e: {  	s9 =	simm.s32 $0x380  }
0x2f: {  	[tilespmem:s9], [sflag:$0x1] =	stream.linear.gather [hbm4b:s19+s3], $0x80, $0x38;
	[tilespmem:$0xCC80] =	vst v63  }
0x30: {  	s10 =	simm.s32 $0x580  }
0x31: {  	[tilespmem:s10], [sflag:$0x1] =	stream.linear.gather [hbm4b:s20+s3], $0x80, $0x38;
	[tilespmem:$0xCC80] =	vst v63  }
0x32: {  	s11 =	simm.s32 $0x780  }
0x33: {  	[tilespmem:s11], [sflag:$0x1] =	stream.linear.gather [hbm4b:s21+s3], $0x80, $0x38;
	[tilespmem:$0xCC80] =	vst v63  }
0x34: {  	_ =	swait.ge [sflag:s26], $0x200  }
0x35: {  	[sflag:s26] =	ssyncset.done $0x0  }
0x36: {  	[sflag:s26] =	ssyncadd.s32 $0xFFFFFE00  }
0x37: {  	_ =	swait.ge [sflag:s26], $0x200  }
0x38: {  	[sflag:s26] =	ssyncset.done $0x0  }
0x39: {  	[sflag:s26] =	ssyncadd.s32 $0xFFFFFE00  }
0x3a: {  	_ =	swait.ge [sflag:s26], $0x200  }
0x3b: {  	[sflag:s26] =	ssyncset.done $0x0  }
0x3c: {  	s6 =	simm.s32 $0x0;
	[sflag:s26] =	ssyncadd.s32 $0xFFFFFE00  }
0x3d: {  	s12 =	sand.u32 $0x70, s3;
	s13 =	sand.u32 $0x600, s3;
	_ =	swait.ge [sflag:s26], $0x200  }
0x3e: {  	s8 =	simm.s32 $0x80;
	s7 =	simm.s32 $0x0;
	[sflag:s26] =	ssyncset.done $0x0  }
0x3f: {  	s9 =	simm.s32 $0x0;
	s10 =	sor.u32 s12, s13;
	[sflag:s26] =	ssyncadd.s32 $0xFFFFFE00  }
.LBB2_2:
0x40: {  	p0 =	sne.s32 s8, $0xF80;
	v0 =	vld [tilespmem:s10+$0x0]  }
0x41: {  	v1 =	vld [tilespmem:s10+$0x80]  }
0x42: {  	v2 =	vld [tilespmem:s10+$0x100];
	_ =	sdelay $0x3  }
0x43: {  	v0 =	vmul.f32 $1.000000000e+02, v0;
	v1 =	vmul.f32 $1.000000000e+02, v1  }
0x44: {  	v2 =	vmul.f32 $1.000000000e+01, v2  }
0x45: {  	v0 =	vtrunc.f32 v0;
	v1 =	vtrunc.f32 v1  }
0x46: {  	v0 =	vcvt.f32.s32 v0;
	v1 =	vcvt.f32.s32 v1;
	_ =	sdelay $0x1  }
0x47: {  	v2 =	vtrunc.f32 v2;
	vm0 =	vgt.s32 v0, $0x0;
	vm1 =	vgt.s32 v1, $0x0  }
0x48: {  	v2 =	vcvt.f32.s32 v2;
	v0 =	vnsel vm0, $0x0, v0;
	v1 =	vnsel vm1, $0x0, v1  }
0x49: {  	v0 =	vmin.u32 v0, $0x63;
	v1 =	vmin.u32 v1, $0x63  }
.Ltmp0:
0x4a: {  	vm0 =	vgt.s32 v2, $0x0;
	v0 =	vmul.u32 $0x3E8, v0;
	v1 =	vmul.u32 $0xA, v1;
	(pc) =	sbr.rel @p0 .LBB2_2-.Ltmp0, $4  }
0x4b: {  	s9 =	sadd.s32 $0x40, s9;
	s10 =	sand.u32 $0xE00, s7;
	s7 =	smov.u32 s8;
	v2 =	vnsel vm0, $0x0, v2  }
0x4c: {  	s11 =	sand.u32 $0x30, s6;
	s6 =	sadd.s32 $0x10, s6;
	s10 =	sshrl.u32 s10, $0x2;
	v2 =	vmin.u32 v2, $0x9;
	v0 =	vadd.s32 v0, v1  }
0x4d: {  	s12 =	sand.u32 $0x70, s6;
	s13 =	sand.u32 $0x600, s9;
	s11 =	sor.u32 s11, s10;
	v0 =	vadd.s32 v2, v0  }
0x4e: {  	s8 =	sadd.s32 $0x80, s8;
	s10 =	sor.u32 s12, s13;
	[tilespmem:s11+$0x800] =	vst v0  }
0x4f: {  	v0 =	vld [tilespmem:s10+$0x0]  }
0x50: {  	v1 =	vld [tilespmem:s10+$0x80]  }
0x51: {  	v2 =	vld [tilespmem:s10+$0x100];
	_ =	sdelay $0x3  }
0x52: {  	v0 =	vmul.f32 $1.000000000e+02, v0;
	v1 =	vmul.f32 $1.000000000e+02, v1  }
0x53: {  	v2 =	vmul.f32 $1.000000000e+01, v2  }
0x54: {  	v0 =	vtrunc.f32 v0;
	v1 =	vtrunc.f32 v1  }
0x55: {  	v0 =	vcvt.f32.s32 v0;
	v1 =	vcvt.f32.s32 v1;
	_ =	sdelay $0x1  }
0x56: {  	v2 =	vtrunc.f32 v2;
	vm0 =	vgt.s32 v0, $0x0;
	vm1 =	vgt.s32 v1, $0x0  }
0x57: {  	v2 =	vcvt.f32.s32 v2;
	v0 =	vnsel vm0, $0x0, v0;
	v1 =	vnsel vm1, $0x0, v1  }
0x58: {  	v0 =	vmin.u32 v0, $0x63;
	v1 =	vmin.u32 v1, $0x63  }
0x59: {  	vm15 =	vgt.s32 v2, $0x0;
	v0 =	vmul.u32 $0x3E8, v0;
	v1 =	vmul.u32 $0xA, v1  }
0x5a: {  	s7 =	sand.u32 $0xE00, s7;
	v2 =	vnsel vm15, $0x0, v2  }
0x5b: {  	s6 =	sand.u32 $0x30, s6;
	s7 =	sshrl.u32 s7, $0x2;
	v2 =	vmin.u32 v2, $0x9;
	v0 =	vadd.s32 v0, v1  }
0x5c: {  	s6 =	sor.u32 s6, s7;
	v0 =	vadd.s32 v2, v0  }
0x5d: {  	s8 =	simm.s32 $0x800;
	[tilespmem:s6+$0x800] =	vst v0  }
0x5e: {  	[tilespmem:s30], [sflag:$0x2] =	stream.indirect.gather [hbm4b:s2+s28], $0x80, s8, s28, $0xb8;
	[tilespmem:$0xCC80] =	vst v63  }
0x5f: {  	s9 =	simm.s32 $0x880  }
0x60: {  	[tilespmem:s1], [sflag:$0x3] =	stream.indirect.gather [hbm4b:s2+s28], $0x80, s9, s28, $0xb8;
	[tilespmem:$0xCC80] =	vst v63  }
0x61: {  	s10 =	simm.s32 $0x900;
	s11 =	simm.s32 $0x4C00  }
0x62: {  	[tilespmem:s11], [sflag:$0x4] =	stream.indirect.gather [hbm4b:s2+s28], $0x80, s10, s28, $0xb8;
	[tilespmem:$0xCC80] =	vst v63  }
0x63: {  	s12 =	simm.s32 $0x0;
	s13 =	simm.s32 $0x980;
	s8 =	simm.s32 $0x6C00  }
0x64: {  	v0 =	vmov s12;
	[tilespmem:s8], [sflag:$0x5] =	stream.indirect.gather [hbm4b:s2+s28], $0x80, s13, s28, $0xb8;
	[tilespmem:$0xCC80] =	vst v63  }
0x65: {  	s7 =	simm.s32 $0xA00;
	v0 =	vor.u32 $0x180, v0;
	s8 =	simm.s32 $0x8C00  }
0x66: {  	v0 =	vbroadcast v0, $0x0;
	[tilespmem:s8], [sflag:$0x6] =	stream.indirect.gather [hbm4b:s2+s28], $0x80, s7, s28, $0xb8;
	[tilespmem:$0xCC80] =	vst v63  }
0x67: {  	s9 =	simm.s32 $0xA80;
	s10 =	simm.s32 $0xAC00  }
0x68: {  	[tilespmem:s10], [sflag:$0x7] =	stream.indirect.gather [hbm4b:s2+s28], $0x80, s9, s28, $0xb8;
	[tilespmem:$0xCC80] =	vst v63  }
0x69: {  	_ =	swait.ge [sflag:s22], $0x2000  }
0x6a: {  	[sflag:s22] =	ssyncset.done $0x0  }
0x6b: {  	[sflag:s22] =	ssyncadd.s32 $0xFFFFE000  }
0x6c: {  	s11 =	simm.s32 $0xC40;
	v4 =	vld.idx.msk [tilespmem:v0+s3+$0x0], $0xffff  }
0x6d: {  	v0 =	vld [tilespmem:s11+$0x30]  }
0x6e: {  	v2 =	vld [tilespmem:s11+$0xFFFFFFC0]  }
0x6f: {  	s12 =	simm.s32 $0x1;
	v3 =	vld [tilespmem:s11+$0xFFFFFFD0]  }
0x70: {  	v1 =	vmov s12;
	v6 =	vld [tilespmem:s11+$0xFFFFFFE0]  }
0x71: {  	v1 =	vor.u32 $0x180, v1;
	v7 =	vld [tilespmem:s11+$0xFFFFFFF0]  }
0x72: {  	v1 =	vbroadcast v1, $0x0;
	_ =	sdelay $0x1  }
0x73: {  	v5 =	vimm.f32 $0.0e+00;
	v10 =	vld [tilespmem:s11+$0x0];
	v0 =	vmul.f32 v0, v4  }
0x74: {  	v9 =	vimm.f32 $0.0e+00;
	s13 =	simm.s32 $0x2;
	v12 =	vld [tilespmem:s11+$0x10];
	v2 =	vmul.f32 v2, v4;
	v8 =	vmul.f32 v3, v4  }
0x75: {  	s6 =	simm.s32 $0xCC0;
	v16 =	vmov s13;
	v11 =	vld [tilespmem:s11+$0x20];
	v14 =	vmul.f32 v6, v4;
	v15 =	vmul.f32 v7, v4  }
0x76: {  	v13 =	vld [tilespmem:s6+$0x30];
	v6 =	vimm.f32 $0.0e+00;
	v7 =	vimm.f32 $0.0e+00;
	v3 =	vadd.f32 v0, v5  }
0x77: {  	s7 =	simm.s32 $0x3;
	v0 =	vadd.f32 v2, v5;
	v2 =	vld.idx.msk [tilespmem:v1+s3+$0x0], $0xffff;
	v1 =	vadd.f32 v8, v5;
	v8 =	vimm.f32 $0.0e+00  }
.LBB2_4:
0x78: {  	p0 =	sne.s32 s7, $0x3F;
	v16 =	vor.u32 $0x180, v16;
	v17 =	vld [tilespmem:s6+$0xFFFFFFC0];
	v5 =	vadd.f32 v14, v5;
	v10 =	vmul.f32 v10, v4  }
0x79: {  	v14 =	vbroadcast v16, $0x0;
	v16 =	vld [tilespmem:s6+$0xFFFFFFD0];
	v6 =	vadd.f32 v15, v6;
	v12 =	vmul.f32 v12, v4  }
0x7a: {  	v15 =	vld [tilespmem:s6+$0xFFFFFFE0];
	v9 =	vadd.f32 v10, v9;
	v11 =	vmul.f32 v11, v4  }
0x7b: {  	v18 =	vld [tilespmem:s6+$0xFFFFFFF0];
	v7 =	vadd.f32 v12, v7  }
.Ltmp1:
0x7c: {  	v4 =	vmov v2;
	v10 =	vld [tilespmem:s6+$0x0];
	v13 =	vmul.f32 v13, v2;
	v8 =	vadd.f32 v11, v8;
	(pc) =	sbr.rel @p0 .LBB2_4-.Ltmp1, $4  }
0x7d: {  	v17 =	vmul.f32 v17, v4;
	v12 =	vld [tilespmem:s6+$0x10]  }
0x7e: {  	v19 =	vmul.f32 v16, v4;
	v11 =	vld [tilespmem:s6+$0x20];
	v3 =	vadd.f32 v13, v3  }
0x7f: {  	s6 =	sadd.s32 $0x80, s6;
	v2 =	vld.idx.msk [tilespmem:v14+s3+$0x0], $0xffff;
	v0 =	vadd.f32 v17, v0;
	v14 =	vmul.f32 v15, v4  }
0x80: {  	v16 =	vmov s7;
	s7 =	sadd.s32 $0x1, s7;
	v13 =	vld [tilespmem:s6+$0x30];
	v1 =	vadd.f32 v19, v1;
	v15 =	vmul.f32 v18, v4  }
0x81: {  	v17 =	vld [tilespmem:s6+$0xFFFFFFC0]  }
0x82: {  	v18 =	vld [tilespmem:s6+$0xFFFFFFD0]  }
0x83: {  	v19 =	vld [tilespmem:s6+$0xFFFFFFE0]  }
0x84: {  	v20 =	vld [tilespmem:s6+$0xFFFFFFF0]  }
0x85: {  	v21 =	vld [tilespmem:s6+$0x0]  }
0x86: {  	v22 =	vld [tilespmem:s6+$0x10]  }
0x87: {  	v23 =	vld [tilespmem:s6+$0x20];
	s9 =	sadd.s32 $0x80, s6  }
0x88: {  	v24 =	vld [tilespmem:s9+$0x30]  }
0x89: {  	v16 =	vor.u32 $0x180, v16;
	v25 =	vld [tilespmem:s9+$0xFFFFFFC0]  }
0x8a: {  	v16 =	vbroadcast v16, $0x0;
	v26 =	vld [tilespmem:s9+$0xFFFFFFD0]  }
0x8b: {  	s7 =	simm.s32 $0x0;
	v27 =	vld [tilespmem:s9+$0xFFFFFFE0]  }
0x8c: {  	v28 =	vld [tilespmem:s9+$0xFFFFFFF0];
	v29 =	vmov s7  }
0x8d: {  	v10 =	vmul.f32 v10, v4;
	v12 =	vmul.f32 v12, v4;
	v30 =	vld [tilespmem:s9+$0x0];
	v29 =	vadd.s32 $0x1C0, v29  }
0x8e: {  	v5 =	vadd.f32 v14, v5;
	v4 =	vmul.f32 v11, v4;
	v11 =	vld [tilespmem:s9+$0x10];
	v14 =	vbroadcast v29, $0x0  }
0x8f: {  	s10 =	simm.s32 $0xB00;
	v9 =	vadd.f32 v10, v9;
	v10 =	vmul.f32 v13, v2;
	v13 =	vld [tilespmem:s9+$0x20]  }
0x90: {  	v4 =	vadd.f32 v4, v8;
	v8 =	vmul.f32 v17, v2;
	v16 =	vld.idx.msk [tilespmem:v16+s3+$0x0], $0xffff;
	[tilespmem:s30], [sflag:$0x2] =	stream.indirect.gather [hbm4b:s2+s28], $0x80, s10, s28, $0xb8  }
0x91: {  	v6 =	vadd.f32 v15, v6;
	v7 =	vadd.f32 v12, v7;
	_ =	swait.ge [sflag:s24], $0x2000  }
0x92: {  	v12 =	vmul.f32 v19, v2;
	v8 =	vadd.f32 v8, v0;
	v0 =	vmul.f32 v20, v2;
	[sflag:s24] =	ssyncset.done $0x0  }
0x93: {  	s12 =	simm.s32 $0x1;
	v15 =	vmul.f32 v21, v2;
	v3 =	vadd.f32 v10, v3;
	v10 =	vmul.f32 v18, v2;
	[sflag:s24] =	ssyncadd.s32 $0xFFFFE000  }
0x94: {  	s11 =	simm.s32 $0x2C70;
	v5 =	vadd.f32 v12, v5;
	v12 =	vmov s12;
	v6 =	vadd.f32 v0, v6;
	v0 =	vld.idx.msk [tilespmem:v14+s3+$0x0], $0xffff  }
0x95: {  	v1 =	vadd.f32 v10, v1;
	v10 =	vmul.f32 v22, v2;
	v12 =	vadd.s32 $0x1C0, v12;
	v14 =	vld [tilespmem:s11+$0x0]  }
0x96: {  	v9 =	vadd.f32 v15, v9;
	v2 =	vmul.f32 v23, v2;
	v19 =	vbroadcast v12, $0x0;
	v18 =	vld [tilespmem:s11+$0xFFFFFF90]  }
0x97: {  	v7 =	vadd.f32 v10, v7;
	v12 =	vld [tilespmem:s11+$0xFFFFFFA0];
	v10 =	vmul.f32 v24, v16;
	v15 =	vmul.f32 v25, v16  }
0x98: {  	v4 =	vadd.f32 v2, v4;
	v62 =	vld [tilespmem:s11+$0xFFFFFFB0];
	v17 =	vmul.f32 v26, v16;
	v2 =	vmul.f32 v27, v16  }
0x99: {  	v3 =	vadd.f32 v10, v3;
	v15 =	vadd.f32 v15, v8;
	v10 =	vmul.f32 v28, v16  }
0x9a: {  	v63 =	vld [tilespmem:s11+$0xFFFFFFC0];
	v17 =	vadd.f32 v17, v1;
	v8 =	vadd.f32 v2, v5;
	v2 =	vmul.f32 v30, v16  }
0x9b: {  	v5 =	vmul.f32 v11, v16;
	v1 =	vadd.f32 v10, v6;
	v6 =	vmul.f32 v13, v16;
	v10 =	vld [tilespmem:s11+$0xFFFFFFD0]  }
0x9c: {  	v11 =	vld [tilespmem:s11+$0xFFFFFFE0];
	v2 =	vadd.f32 v2, v9;
	v9 =	vmul.f32 v14, v0;
	v13 =	vmul.f32 v18, v0  }
0x9d: {  	s13 =	simm.s32 $0x2;
	v5 =	vadd.f32 v5, v7;
	v18 =	vmul.f32 v12, v0;
	v12 =	vld [tilespmem:s11+$0xFFFFFFF0];
	v14 =	vmul.f32 v62, v0  }
0x9e: {  	s6 =	simm.s32 $0x2CF0;
	v16 =	vmov s13;
	v4 =	vadd.f32 v6, v4;
	v7 =	vadd.f32 v9, v3;
	v3 =	vld.idx.msk [tilespmem:v19+s3+$0x0], $0xffff  }
0x9f: {  	s7 =	simm.s32 $0x3;
	v6 =	vadd.f32 v13, v15;
	v13 =	vld [tilespmem:s6+$0x0];
	v9 =	vadd.f32 v18, v17;
	v15 =	vmul.f32 v63, v0  }
.LBB2_6:
0xa0: {  	p0 =	sne.s32 s7, $0x3F;
	v16 =	vadd.s32 $0x1C0, v16;
	v17 =	vld [tilespmem:s6+$0xFFFFFF90];
	v8 =	vadd.f32 v14, v8;
	v10 =	vmul.f32 v10, v0  }
0xa1: {  	v14 =	vbroadcast v16, $0x0;
	v16 =	vld [tilespmem:s6+$0xFFFFFFA0];
	v1 =	vadd.f32 v15, v1;
	v11 =	vmul.f32 v11, v0  }
0xa2: {  	v15 =	vld [tilespmem:s6+$0xFFFFFFB0];
	v2 =	vadd.f32 v10, v2;
	v12 =	vmul.f32 v12, v0  }
0xa3: {  	v18 =	vld [tilespmem:s6+$0xFFFFFFC0];
	v5 =	vadd.f32 v11, v5  }
.Ltmp2:
0xa4: {  	v0 =	vmov v3;
	v10 =	vld [tilespmem:s6+$0xFFFFFFD0];
	v13 =	vmul.f32 v13, v3;
	v4 =	vadd.f32 v12, v4;
	(pc) =	sbr.rel @p0 .LBB2_6-.Ltmp2, $4  }
0xa5: {  	v17 =	vmul.f32 v17, v0;
	v11 =	vld [tilespmem:s6+$0xFFFFFFE0]  }
0xa6: {  	v19 =	vmul.f32 v16, v0;
	v12 =	vld [tilespmem:s6+$0xFFFFFFF0];
	v7 =	vadd.f32 v13, v7  }
0xa7: {  	s6 =	sadd.s32 $0x80, s6;
	v3 =	vld.idx.msk [tilespmem:v14+s3+$0x0], $0xffff;
	v6 =	vadd.f32 v17, v6;
	v14 =	vmul.f32 v15, v0  }
0xa8: {  	v16 =	vmov s7;
	s7 =	sadd.s32 $0x1, s7;
	v13 =	vld [tilespmem:s6+$0x0];
	v9 =	vadd.f32 v19, v9;
	v15 =	vmul.f32 v18, v0  }
0xa9: {  	v17 =	vld [tilespmem:s6+$0xFFFFFF90]  }
0xaa: {  	v18 =	vld [tilespmem:s6+$0xFFFFFFA0]  }
0xab: {  	v19 =	vld [tilespmem:s6+$0xFFFFFFB0]  }
0xac: {  	v20 =	vld [tilespmem:s6+$0xFFFFFFC0]  }
0xad: {  	v21 =	vld [tilespmem:s6+$0xFFFFFFD0]  }
0xae: {  	v22 =	vld [tilespmem:s6+$0xFFFFFFE0]  }
0xaf: {  	v23 =	vld [tilespmem:s6+$0xFFFFFFF0];
	s10 =	sadd.s32 $0x80, s6  }
0xb0: {  	v24 =	vld [tilespmem:s10+$0x0]  }
0xb1: {  	v16 =	vadd.s32 $0x1C0, v16;
	v25 =	vld [tilespmem:s10+$0xFFFFFF90]  }
0xb2: {  	s7 =	simm.s32 $0x0;
	v16 =	vbroadcast v16, $0x0;
	v26 =	vld [tilespmem:s10+$0xFFFFFFA0]  }
0xb3: {  	v27 =	vld [tilespmem:s10+$0xFFFFFFB0];
	v28 =	vmov s7  }
0xb4: {  	v8 =	vadd.f32 v14, v8;
	v10 =	vmul.f32 v10, v0;
	v14 =	vld [tilespmem:s10+$0xFFFFFFC0];
	v28 =	vand.u32 $0x3F, v28  }
0xb5: {  	v11 =	vmul.f32 v11, v0;
	v1 =	vadd.f32 v15, v1;
	v15 =	vld [tilespmem:s10+$0xFFFFFFE0];
	v28 =	vor.u32 $0x380, v28  }
0xb6: {  	v0 =	vmul.f32 v12, v0;
	v12 =	vld [tilespmem:s10+$0xFFFFFFD0];
	v28 =	vbroadcast v28, $0x0  }
0xb7: {  	s11 =	simm.s32 $0xB80;
	v5 =	vadd.f32 v11, v5;
	v11 =	vld [tilespmem:s10+$0xFFFFFFF0]  }
0xb8: {  	v13 =	vmul.f32 v13, v3;
	v4 =	vadd.f32 v0, v4;
	v0 =	vmul.f32 v18, v3;
	v16 =	vld.idx.msk [tilespmem:v16+s3+$0x0], $0xffff;
	[tilespmem:s1], [sflag:$0x3] =	stream.indirect.gather [hbm4b:s2+s28], $0x80, s11, s28, $0xb8  }
0xb9: {  	v2 =	vadd.f32 v10, v2;
	v10 =	vmul.f32 v17, v3;
	v17 =	vmul.f32 v22, v3;
	_ =	swait.ge [sflag:s29], $0x2000  }
0xba: {  	v7 =	vadd.f32 v13, v7;
	v9 =	vadd.f32 v0, v9;
	v0 =	vmul.f32 v21, v3;
	[sflag:s29] =	ssyncset.done $0x0  }
0xbb: {  	v13 =	vmul.f32 v20, v3;
	v6 =	vadd.f32 v10, v6;
	v10 =	vmul.f32 v19, v3;
	[sflag:s29] =	ssyncadd.s32 $0xFFFFE000  }
0xbc: {  	s12 =	simm.s32 $0x1;
	s13 =	simm.s32 $0x0;
	v3 =	vmul.f32 v23, v3;
	v5 =	vadd.f32 v17, v5;
	v2 =	vadd.f32 v0, v2;
	v0 =	vld.idx.msk [tilespmem:v28+s3+$0x0], $0xffff  }
0xbd: {  	v1 =	vadd.f32 v13, v1;
	v8 =	vadd.f32 v10, v8;
	v10 =	vmov s12;
	v17 =	vld [tilespmem:s13+$0x4C70]  }
0xbe: {  	v4 =	vadd.f32 v3, v4;
	v3 =	vand.u32 $0x3F, v10;
	v19 =	vld [tilespmem:s13+$0x4C00];
	v13 =	vmul.f32 v24, v16  }
0xbf: {  	v3 =	vor.u32 $0x380, v3;
	v62 =	vld [tilespmem:s13+$0x4C10];
	v10 =	vmul.f32 v25, v16;
	v18 =	vmul.f32 v26, v16  }
0xc0: {  	v61 =	vbroadcast v3, $0x0;
	v60 =	vadd.f32 v13, v7;
	v7 =	vmul.f32 v27, v16  }
0xc1: {  	v3 =	vmul.f32 v14, v16;
	v63 =	vadd.f32 v10, v6;
	v9 =	vadd.f32 v18, v9;
	v18 =	vld [tilespmem:s13+$0x4C20]  }
0xc2: {  	v13 =	vld [tilespmem:s13+$0x4C30];
	v6 =	vadd.f32 v7, v8;
	v8 =	vmul.f32 v12, v16;
	v12 =	vmul.f32 v15, v16  }
0xc3: {  	v10 =	vld [tilespmem:s13+$0x4C40];
	v7 =	vadd.f32 v3, v1;
	v1 =	vmul.f32 v11, v16;
	v15 =	vmul.f32 v17, v0  }
0xc4: {  	s7 =	simm.s32 $0x2;
	v11 =	vld [tilespmem:s13+$0x4C50];
	v14 =	vmul.f32 v62, v0;
	v3 =	vadd.f32 v12, v5;
	v5 =	vmul.f32 v19, v0  }
0xc5: {  	v16 =	vmov s7;
	v8 =	vadd.f32 v8, v2;
	v1 =	vadd.f32 v1, v4;
	v12 =	vld [tilespmem:s13+$0x4C60]  }
0xc6: {  	s6 =	simm.s32 $0x400;
	s9 =	simm.s32 $0x600;
	s8 =	simm.s32 $0x80;
	v2 =	vadd.f32 v15, v60;
	v4 =	vld.idx.msk [tilespmem:v61+s3+$0x0], $0xffff;
	v15 =	vmul.f32 v18, v0;
	v5 =	vadd.f32 v5, v63  }
.LBB2_8:
0xc7: {  	p0 =	sne.s32 s9, $0x7E00;
	v16 =	vand.u32 $0x3F, v16;
	v17 =	vld [tilespmem:s8+$0x4C70];
	v9 =	vadd.f32 v14, v9;
	v13 =	vmul.f32 v13, v0  }
0xc8: {  	v14 =	vor.u32 $0x380, v16;
	v16 =	vld [tilespmem:s8+$0x4C00];
	v6 =	vadd.f32 v15, v6;
	v10 =	vmul.f32 v10, v0  }
0xc9: {  	v15 =	vbroadcast v14, $0x0;
	v14 =	vld [tilespmem:s8+$0x4C10];
	v7 =	vadd.f32 v13, v7;
	v11 =	vmul.f32 v11, v0  }
0xca: {  	v18 =	vld [tilespmem:s8+$0x4C20];
	v8 =	vadd.f32 v10, v8;
	v12 =	vmul.f32 v12, v0  }
.Ltmp3:
0xcb: {  	v13 =	vld [tilespmem:s8+$0x4C30];
	v3 =	vadd.f32 v11, v3;
	(pc) =	sbr.rel @p0 .LBB2_8-.Ltmp3, $4  }
0xcc: {  	v0 =	vmov v4;
	v10 =	vld [tilespmem:s8+$0x4C40];
	v17 =	vmul.f32 v17, v4;
	v1 =	vadd.f32 v12, v1  }
0xcd: {  	v19 =	vmul.f32 v16, v0;
	v11 =	vld [tilespmem:s8+$0x4C50]  }
0xce: {  	s7 =	sadd.s32 $0x1, s7;
	v14 =	vmul.f32 v14, v0;
	v12 =	vld [tilespmem:s8+$0x4C60];
	v2 =	vadd.f32 v17, v2  }
0xcf: {  	v16 =	vmov s7;
	s8 =	sshra.s32 s6, $0x2;
	s6 =	smov.u32 s9;
	s9 =	sadd.s32 $0x200, s9;
	v4 =	vld.idx.msk [tilespmem:v15+s3+$0x0], $0xffff;
	v5 =	vadd.f32 v19, v5;
	v15 =	vmul.f32 v18, v0  }
0xd0: {  	v17 =	vld [tilespmem:s8+$0x4C70]  }
0xd1: {  	v18 =	vld [tilespmem:s8+$0x4C00]  }
0xd2: {  	v16 =	vand.u32 $0x3F, v16;
	v19 =	vld [tilespmem:s8+$0x4C10]  }
0xd3: {  	v20 =	vld [tilespmem:s8+$0x4C20];
	v16 =	vor.u32 $0x380, v16  }
0xd4: {  	v21 =	vld [tilespmem:s8+$0x4C30];
	v16 =	vbroadcast v16, $0x0  }
0xd5: {  	v22 =	vld [tilespmem:s8+$0x4C40];
	s7 =	simm.s32 $0x0  }
0xd6: {  	v23 =	vld [tilespmem:s8+$0x4C50];
	v9 =	vadd.f32 v14, v9;
	v13 =	vmul.f32 v13, v0;
	v26 =	vmov s7  }
0xd7: {  	v24 =	vld [tilespmem:s8+$0x4C60];
	s6 =	sshra.s32 s6, $0x2;
	v6 =	vadd.f32 v15, v6;
	v10 =	vmul.f32 v10, v0;
	v26 =	vadd.s32 $0xC0, v26  }
0xd8: {  	v25 =	vld [tilespmem:s6+$0x4C70];
	v7 =	vadd.f32 v13, v7;
	v11 =	vmul.f32 v11, v0;
	v26 =	vand.u32 $0x7F, v26  }
0xd9: {  	v14 =	vld [tilespmem:s6+$0x4C00];
	v8 =	vadd.f32 v10, v8;
	v0 =	vmul.f32 v12, v0;
	v12 =	vor.u32 $0x380, v26  }
0xda: {  	v3 =	vadd.f32 v11, v3;
	v11 =	vmul.f32 v17, v4;
	v12 =	vbroadcast v12, $0x0;
	v16 =	vld.idx.msk [tilespmem:v16+s3+$0x0], $0xffff  }
0xdb: {  	v15 =	vld [tilespmem:s6+$0x4C10];
	v1 =	vadd.f32 v0, v1;
	v0 =	vmul.f32 v18, v4;
	v18 =	vmul.f32 v19, v4  }
0xdc: {  	v13 =	vld [tilespmem:s6+$0x4C20];
	v60 =	vmul.f32 v21, v4;
	v2 =	vadd.f32 v11, v2;
	v11 =	vmul.f32 v20, v4  }
0xdd: {  	v10 =	vld [tilespmem:s6+$0x4C30];
	v5 =	vadd.f32 v0, v5;
	v9 =	vadd.f32 v18, v9;
	v0 =	vmul.f32 v22, v4  }
0xde: {  	v17 =	vld [tilespmem:s6+$0x4C40];
	v6 =	vadd.f32 v11, v6;
	v11 =	vadd.f32 v60, v7;
	v7 =	vmul.f32 v23, v4  }
0xdf: {  	v8 =	vadd.f32 v0, v8;
	v4 =	vmul.f32 v24, v4;
	v18 =	vmul.f32 v25, v16  }
0xe0: {  	v61 =	vld [tilespmem:s6+$0x4C60];
	v3 =	vadd.f32 v7, v3;
	v7 =	vmul.f32 v14, v16;
	v14 =	vmul.f32 v15, v16  }
0xe1: {  	v19 =	vld [tilespmem:s6+$0x4C50];
	_ =	swait.ge [sflag:s31], $0x2000;
	v15 =	vadd.f32 v4, v1;
	v1 =	vmul.f32 v13, v16;
	v18 =	vadd.f32 v18, v2  }
0xe2: {  	s13 =	simm.s32 $0x1;
	[sflag:s31] =	ssyncset.done $0x0;
	v7 =	vadd.f32 v7, v5;
	v4 =	vadd.f32 v14, v9;
	v2 =	vmul.f32 v10, v16  }
0xe3: {  	[sflag:s31] =	ssyncadd.s32 $0xFFFFE000;
	v5 =	vadd.f32 v1, v6;
	v6 =	vmul.f32 v17, v16;
	v9 =	vmov s13  }
0xe4: {  	s10 =	simm.s32 $0x0;
	v0 =	vld.idx.msk [tilespmem:v12+s3+$0x0], $0xffff;
	v9 =	vadd.s32 $0xC0, v9  }
0xe5: {  	v13 =	vld [tilespmem:s10+$0x6C70];
	v1 =	vadd.f32 v2, v11;
	v2 =	vadd.f32 v6, v8;
	v8 =	vand.u32 $0x7F, v9  }
0xe6: {  	v62 =	vld [tilespmem:s10+$0x6C00];
	v8 =	vor.u32 $0x380, v8  }
0xe7: {  	v63 =	vld [tilespmem:s10+$0x6C10];
	v14 =	vbroadcast v8, $0x0  }
0xe8: {  	v12 =	vld [tilespmem:s10+$0x6C20]  }
0xe9: {  	v10 =	vld [tilespmem:s10+$0x6C30];
	v11 =	vmul.f32 v19, v16;
	v6 =	vmul.f32 v61, v16  }
0xea: {  	v9 =	vld [tilespmem:s10+$0x6C40];
	v19 =	vmul.f32 v13, v0  }
0xeb: {  	s7 =	simm.s32 $0x2;
	v3 =	vadd.f32 v11, v3;
	v6 =	vadd.f32 v6, v15;
	v15 =	vmul.f32 v62, v0;
	v11 =	vld [tilespmem:s10+$0x6C50]  }
0xec: {  	s8 =	simm.s32 $0x200;
	s9 =	simm.s32 $0x600;
	s6 =	simm.s32 $0x400;
	v17 =	vmov s7;
	v16 =	vmul.f32 v63, v0;
	v13 =	vld [tilespmem:s10+$0x6C60];
	v8 =	vadd.f32 v19, v18  }
.LBB2_10:
0xed: {  	p0 =	sne.s32 s9, $0x7E00;
	v17 =	vadd.s32 $0xC0, v17;
	v18 =	vld.idx.msk [tilespmem:v14+s3+$0x0], $0xffff;
	s10 =	sshra.s32 s8, $0x2;
	v7 =	vadd.f32 v15, v7;
	v12 =	vmul.f32 v12, v0;
	s8 =	smov.u32 s6  }
0xee: {  	s6 =	smov.u32 s9;
	v14 =	vand.u32 $0x7F, v17;
	v15 =	vld [tilespmem:s10+$0x6C70];
	v4 =	vadd.f32 v16, v4;
	v10 =	vmul.f32 v10, v0  }
0xef: {  	v14 =	vor.u32 $0x380, v14;
	v16 =	vld [tilespmem:s10+$0x6C00];
	v5 =	vadd.f32 v12, v5;
	v9 =	vmul.f32 v9, v0  }
0xf0: {  	v14 =	vbroadcast v14, $0x0;
	v19 =	vld [tilespmem:s10+$0x6C10];
	v1 =	vadd.f32 v10, v1;
	v11 =	vmul.f32 v11, v0  }
.Ltmp4:
0xf1: {  	v12 =	vld [tilespmem:s10+$0x6C20];
	v2 =	vadd.f32 v9, v2;
	v13 =	vmul.f32 v13, v0;
	(pc) =	sbr.rel @p0 .LBB2_10-.Ltmp4, $4  }
0xf2: {  	v10 =	vld [tilespmem:s10+$0x6C30];
	v3 =	vadd.f32 v11, v3  }
0xf3: {  	v0 =	vmov v18;
	v9 =	vld [tilespmem:s10+$0x6C40];
	v20 =	vmul.f32 v15, v18;
	v6 =	vadd.f32 v13, v6  }
0xf4: {  	s7 =	sadd.s32 $0x1, s7;
	v15 =	vmul.f32 v16, v0;
	v11 =	vld [tilespmem:s10+$0x6C50]  }
0xf5: {  	s9 =	sadd.s32 $0x200, s9;
	v17 =	vmov s7;
	v16 =	vmul.f32 v19, v0;
	v13 =	vld [tilespmem:s10+$0x6C60];
	v8 =	vadd.f32 v20, v8  }
0xf6: {  	_ =	sdelay $0x3  }
0xf7: {  	v14 =	vld.idx.msk [tilespmem:v14+s3+$0x0], $0xffff;
	s7 =	sshra.s32 s8, $0x2  }
0xf8: {  	v18 =	vld [tilespmem:s7+$0x6C70]  }
0xf9: {  	v19 =	vld [tilespmem:s7+$0x6C00]  }
0xfa: {  	v20 =	vld [tilespmem:s7+$0x6C10]  }
0xfb: {  	v21 =	vld [tilespmem:s7+$0x6C20]  }
0xfc: {  	v22 =	vld [tilespmem:s7+$0x6C30]  }
0xfd: {  	v23 =	vld [tilespmem:s7+$0x6C40]  }
0xfe: {  	v17 =	vadd.s32 $0xC0, v17;
	v24 =	vld [tilespmem:s7+$0x6C50]  }
0xff: {  	s6 =	sshra.s32 s6, $0x2;
	v17 =	vand.u32 $0x7F, v17;
	v25 =	vld [tilespmem:s7+$0x6C60]  }
0x100: {  	v26 =	vld [tilespmem:s6+$0x6C70];
	v17 =	vor.u32 $0x380, v17  }
0x101: {  	v7 =	vadd.f32 v15, v7;
	v12 =	vmul.f32 v12, v0;
	s11 =	simm.s32 $0x0;
	v15 =	vld [tilespmem:s6+$0x6C00];
	v17 =	vbroadcast v17, $0x0  }
0x102: {  	v4 =	vadd.f32 v16, v4;
	v10 =	vmul.f32 v10, v0;
	v16 =	vld [tilespmem:s6+$0x6C10];
	v27 =	vmov s11  }
0x103: {  	v5 =	vadd.f32 v12, v5;
	v12 =	vld [tilespmem:s6+$0x6C20];
	v27 =	vand.u32 $0x3F, v27;
	v11 =	vmul.f32 v11, v0  }
0x104: {  	v9 =	vmul.f32 v9, v0;
	v27 =	vor.u32 $0x580, v27;
	v0 =	vmul.f32 v13, v0;
	v13 =	vld [tilespmem:s6+$0x6C30]  }
0x105: {  	v1 =	vadd.f32 v10, v1;
	v27 =	vbroadcast v27, $0x0;
	v3 =	vadd.f32 v11, v3;
	v11 =	vld [tilespmem:s6+$0x6C50]  }
0x106: {  	v2 =	vadd.f32 v9, v2;
	v10 =	vmul.f32 v18, v14;
	v18 =	vld [tilespmem:s6+$0x6C40];
	v9 =	vmul.f32 v19, v14  }
0x107: {  	v6 =	vadd.f32 v0, v6;
	v0 =	vmul.f32 v20, v14;
	v19 =	vmul.f32 v22, v14;
	v17 =	vld.idx.msk [tilespmem:v17+s3+$0x0], $0xffff  }
0x108: {  	v8 =	vadd.f32 v10, v8;
	v10 =	vld [tilespmem:s6+$0x6C60];
	v7 =	vadd.f32 v9, v7;
	v9 =	vmul.f32 v21, v14;
	_ =	swait.ge [sflag:s0], $0x2000  }
0x109: {  	v60 =	vmul.f32 v24, v14;
	v4 =	vadd.f32 v0, v4;
	v0 =	vmul.f32 v23, v14;
	[sflag:s0] =	ssyncset.done $0x0  }
0x10a: {  	s12 =	simm.s32 $0x1;
	v1 =	vadd.f32 v19, v1;
	v5 =	vadd.f32 v9, v5;
	v9 =	vmul.f32 v25, v14;
	[sflag:s0] =	ssyncadd.s32 $0xFFFFE000  }
0x10b: {  	s13 =	simm.s32 $0x0;
	v3 =	vadd.f32 v60, v3;
	v2 =	vadd.f32 v0, v2;
	v14 =	vmov s12;
	v0 =	vld.idx.msk [tilespmem:v27+s3+$0x0], $0xffff  }
0x10c: {  	v61 =	vadd.f32 v9, v6;
	v6 =	vand.u32 $0x3F, v14;
	v14 =	vld [tilespmem:s13+$0x8C70];
	v19 =	vmul.f32 v26, v17  }
0x10d: {  	v6 =	vor.u32 $0x580, v6;
	v9 =	vmul.f32 v15, v17;
	v15 =	vmul.f32 v16, v17;
	v16 =	vld [tilespmem:s13+$0x8C00]  }
0x10e: {  	v62 =	vbroadcast v6, $0x0;
	v19 =	vadd.f32 v19, v8;
	v8 =	vmul.f32 v12, v17;
	v12 =	vld [tilespmem:s13+$0x8C10]  }
0x10f: {  	v63 =	vadd.f32 v9, v7;
	v9 =	vadd.f32 v15, v4;
	v4 =	vmul.f32 v13, v17;
	v15 =	vld [tilespmem:s13+$0x8C20]  }
0x110: {  	v11 =	vmul.f32 v11, v17;
	v13 =	vld [tilespmem:s13+$0x8C30];
	v6 =	vadd.f32 v8, v5;
	v5 =	vmul.f32 v18, v17  }
0x111: {  	v7 =	vadd.f32 v4, v1;
	v1 =	vmul.f32 v10, v17;
	v10 =	vld [tilespmem:s13+$0x8C40];
	v4 =	vmul.f32 v14, v0  }
0x112: {  	v3 =	vadd.f32 v11, v3;
	v11 =	vld [tilespmem:s13+$0x8C50];
	v8 =	vadd.f32 v5, v2;
	v5 =	vmul.f32 v16, v0  }
0x113: {  	s7 =	simm.s32 $0x2;
	v1 =	vadd.f32 v1, v61;
	v2 =	vadd.f32 v4, v19;
	v14 =	vmul.f32 v12, v0;
	v12 =	vld [tilespmem:s13+$0x8C60]  }
0x114: {  	s9 =	simm.s32 $0x600;
	s8 =	simm.s32 $0x80;
	s6 =	simm.s32 $0x400;
	v16 =	vmov s7;
	v4 =	vld.idx.msk [tilespmem:v62+s3+$0x0], $0xffff;
	v15 =	vmul.f32 v15, v0;
	v5 =	vadd.f32 v5, v63  }
.LBB2_12:
0x115: {  	p0 =	sne.s32 s9, $0x7E00;
	v16 =	vand.u32 $0x3F, v16;
	v17 =	vld [tilespmem:s8+$0x8C70];
	v9 =	vadd.f32 v14, v9;
	v13 =	vmul.f32 v13, v0  }
0x116: {  	v14 =	vor.u32 $0x580, v16;
	v16 =	vld [tilespmem:s8+$0x8C00];
	v6 =	vadd.f32 v15, v6;
	v10 =	vmul.f32 v10, v0  }
0x117: {  	v15 =	vbroadcast v14, $0x0;
	v14 =	vld [tilespmem:s8+$0x8C10];
	v7 =	vadd.f32 v13, v7;
	v11 =	vmul.f32 v11, v0  }
0x118: {  	v18 =	vld [tilespmem:s8+$0x8C20];
	v8 =	vadd.f32 v10, v8;
	v12 =	vmul.f32 v12, v0  }
.Ltmp5:
0x119: {  	v13 =	vld [tilespmem:s8+$0x8C30];
	v3 =	vadd.f32 v11, v3;
	(pc) =	sbr.rel @p0 .LBB2_12-.Ltmp5, $4  }
0x11a: {  	v0 =	vmov v4;
	v10 =	vld [tilespmem:s8+$0x8C40];
	v17 =	vmul.f32 v17, v4;
	v1 =	vadd.f32 v12, v1  }
0x11b: {  	v19 =	vmul.f32 v16, v0;
	v11 =	vld [tilespmem:s8+$0x8C50]  }
0x11c: {  	s7 =	sadd.s32 $0x1, s7;
	v14 =	vmul.f32 v14, v0;
	v12 =	vld [tilespmem:s8+$0x8C60];
	v2 =	vadd.f32 v17, v2  }
0x11d: {  	v16 =	vmov s7;
	s8 =	sshra.s32 s6, $0x2;
	s6 =	smov.u32 s9;
	s9 =	sadd.s32 $0x200, s9;
	v4 =	vld.idx.msk [tilespmem:v15+s3+$0x0], $0xffff;
	v5 =	vadd.f32 v19, v5;
	v15 =	vmul.f32 v18, v0  }
0x11e: {  	v17 =	vld [tilespmem:s8+$0x8C70]  }
0x11f: {  	v18 =	vld [tilespmem:s8+$0x8C00]  }
0x120: {  	v16 =	vand.u32 $0x3F, v16;
	v19 =	vld [tilespmem:s8+$0x8C10]  }
0x121: {  	v20 =	vld [tilespmem:s8+$0x8C20];
	v16 =	vor.u32 $0x580, v16  }
0x122: {  	v21 =	vld [tilespmem:s8+$0x8C30];
	v16 =	vbroadcast v16, $0x0  }
0x123: {  	v22 =	vld [tilespmem:s8+$0x8C40];
	s7 =	simm.s32 $0x0  }
0x124: {  	v23 =	vld [tilespmem:s8+$0x8C50];
	v9 =	vadd.f32 v14, v9;
	v13 =	vmul.f32 v13, v0;
	v26 =	vmov s7  }
0x125: {  	v24 =	vld [tilespmem:s8+$0x8C60];
	s6 =	sshra.s32 s6, $0x2;
	v6 =	vadd.f32 v15, v6;
	v10 =	vmul.f32 v10, v0;
	v26 =	vadd.s32 $0x140, v26  }
0x126: {  	v25 =	vld [tilespmem:s6+$0x8C70];
	v7 =	vadd.f32 v13, v7;
	v11 =	vmul.f32 v11, v0;
	v26 =	vand.u32 $0x7F, v26  }
0x127: {  	v14 =	vld [tilespmem:s6+$0x8C00];
	v8 =	vadd.f32 v10, v8;
	v0 =	vmul.f32 v12, v0;
	v12 =	vor.u32 $0x580, v26  }
0x128: {  	v3 =	vadd.f32 v11, v3;
	v11 =	vmul.f32 v17, v4;
	v12 =	vbroadcast v12, $0x0;
	v16 =	vld.idx.msk [tilespmem:v16+s3+$0x0], $0xffff  }
0x129: {  	v15 =	vld [tilespmem:s6+$0x8C10];
	v1 =	vadd.f32 v0, v1;
	v0 =	vmul.f32 v18, v4;
	v18 =	vmul.f32 v19, v4  }
0x12a: {  	v13 =	vld [tilespmem:s6+$0x8C20];
	v60 =	vmul.f32 v21, v4;
	v2 =	vadd.f32 v11, v2;
	v11 =	vmul.f32 v20, v4  }
0x12b: {  	v10 =	vld [tilespmem:s6+$0x8C30];
	v5 =	vadd.f32 v0, v5;
	v9 =	vadd.f32 v18, v9;
	v0 =	vmul.f32 v22, v4  }
0x12c: {  	v17 =	vld [tilespmem:s6+$0x8C40];
	v6 =	vadd.f32 v11, v6;
	v11 =	vadd.f32 v60, v7;
	v7 =	vmul.f32 v23, v4  }
0x12d: {  	v8 =	vadd.f32 v0, v8;
	v4 =	vmul.f32 v24, v4;
	v18 =	vmul.f32 v25, v16  }
0x12e: {  	v61 =	vld [tilespmem:s6+$0x8C60];
	v3 =	vadd.f32 v7, v3;
	v7 =	vmul.f32 v14, v16;
	v14 =	vmul.f32 v15, v16  }
0x12f: {  	v19 =	vld [tilespmem:s6+$0x8C50];
	_ =	swait.ge [sflag:s23], $0x2000;
	v15 =	vadd.f32 v4, v1;
	v1 =	vmul.f32 v13, v16;
	v18 =	vadd.f32 v18, v2  }
0x130: {  	s13 =	simm.s32 $0x1;
	[sflag:s23] =	ssyncset.done $0x0;
	v7 =	vadd.f32 v7, v5;
	v4 =	vadd.f32 v14, v9;
	v2 =	vmul.f32 v10, v16  }
0x131: {  	[sflag:s23] =	ssyncadd.s32 $0xFFFFE000;
	v5 =	vadd.f32 v1, v6;
	v6 =	vmul.f32 v17, v16;
	v9 =	vmov s13  }
0x132: {  	s10 =	simm.s32 $0x0;
	v0 =	vld.idx.msk [tilespmem:v12+s3+$0x0], $0xffff;
	v9 =	vadd.s32 $0x140, v9  }
0x133: {  	v13 =	vld [tilespmem:s10+$0xAC70];
	v1 =	vadd.f32 v2, v11;
	v2 =	vadd.f32 v6, v8;
	v8 =	vand.u32 $0x7F, v9  }
0x134: {  	v62 =	vld [tilespmem:s10+$0xAC00];
	v8 =	vor.u32 $0x580, v8  }
0x135: {  	v63 =	vld [tilespmem:s10+$0xAC10];
	v14 =	vbroadcast v8, $0x0  }
0x136: {  	v12 =	vld [tilespmem:s10+$0xAC20]  }
0x137: {  	v10 =	vld [tilespmem:s10+$0xAC30];
	v11 =	vmul.f32 v19, v16;
	v6 =	vmul.f32 v61, v16  }
0x138: {  	v9 =	vld [tilespmem:s10+$0xAC40];
	v19 =	vmul.f32 v13, v0  }
0x139: {  	s7 =	simm.s32 $0x2;
	v3 =	vadd.f32 v11, v3;
	v6 =	vadd.f32 v6, v15;
	v15 =	vmul.f32 v62, v0;
	v11 =	vld [tilespmem:s10+$0xAC50]  }
0x13a: {  	s8 =	simm.s32 $0x200;
	s9 =	simm.s32 $0x600;
	s6 =	simm.s32 $0x400;
	v17 =	vmov s7;
	v16 =	vmul.f32 v63, v0;
	v13 =	vld [tilespmem:s10+$0xAC60];
	v8 =	vadd.f32 v19, v18  }
.LBB2_14:
0x13b: {  	p0 =	sne.s32 s9, $0x7E00;
	v17 =	vadd.s32 $0x140, v17;
	v18 =	vld.idx.msk [tilespmem:v14+s3+$0x0], $0xffff;
	s10 =	sshra.s32 s8, $0x2;
	v7 =	vadd.f32 v15, v7;
	v12 =	vmul.f32 v12, v0;
	s8 =	smov.u32 s6  }
0x13c: {  	s6 =	smov.u32 s9;
	v14 =	vand.u32 $0x7F, v17;
	v15 =	vld [tilespmem:s10+$0xAC70];
	v4 =	vadd.f32 v16, v4;
	v10 =	vmul.f32 v10, v0  }
0x13d: {  	v14 =	vor.u32 $0x580, v14;
	v16 =	vld [tilespmem:s10+$0xAC00];
	v5 =	vadd.f32 v12, v5;
	v9 =	vmul.f32 v9, v0  }
0x13e: {  	v14 =	vbroadcast v14, $0x0;
	v19 =	vld [tilespmem:s10+$0xAC10];
	v1 =	vadd.f32 v10, v1;
	v11 =	vmul.f32 v11, v0  }
.Ltmp6:
0x13f: {  	v12 =	vld [tilespmem:s10+$0xAC20];
	v2 =	vadd.f32 v9, v2;
	v13 =	vmul.f32 v13, v0;
	(pc) =	sbr.rel @p0 .LBB2_14-.Ltmp6, $4  }
0x140: {  	v10 =	vld [tilespmem:s10+$0xAC30];
	v3 =	vadd.f32 v11, v3  }
0x141: {  	v0 =	vmov v18;
	v9 =	vld [tilespmem:s10+$0xAC40];
	v20 =	vmul.f32 v15, v18;
	v6 =	vadd.f32 v13, v6  }
0x142: {  	s7 =	sadd.s32 $0x1, s7;
	v15 =	vmul.f32 v16, v0;
	v11 =	vld [tilespmem:s10+$0xAC50]  }
0x143: {  	s9 =	sadd.s32 $0x200, s9;
	v17 =	vmov s7;
	v16 =	vmul.f32 v19, v0;
	v13 =	vld [tilespmem:s10+$0xAC60];
	v8 =	vadd.f32 v20, v8  }
0x144: {  	_ =	sdelay $0x3  }
0x145: {  	v14 =	vld.idx.msk [tilespmem:v14+s3+$0x0], $0xffff;
	s7 =	sshra.s32 s8, $0x2  }
0x146: {  	v18 =	vld [tilespmem:s7+$0xAC70]  }
0x147: {  	v19 =	vld [tilespmem:s7+$0xAC00]  }
0x148: {  	v20 =	vld [tilespmem:s7+$0xAC10]  }
0x149: {  	v21 =	vld [tilespmem:s7+$0xAC20]  }
0x14a: {  	v22 =	vld [tilespmem:s7+$0xAC30]  }
0x14b: {  	v23 =	vld [tilespmem:s7+$0xAC40]  }
0x14c: {  	v24 =	vld [tilespmem:s7+$0xAC50]  }
0x14d: {  	v17 =	vadd.s32 $0x140, v17;
	s6 =	sshra.s32 s6, $0x2;
	v25 =	vld [tilespmem:s7+$0xAC60]  }
0x14e: {  	v7 =	vadd.f32 v15, v7;
	v12 =	vmul.f32 v12, v0;
	v17 =	vand.u32 $0x7F, v17;
	v26 =	vld [tilespmem:s6+$0xAC70]  }
0x14f: {  	s10 =	simm.s32 $0x0;
	v15 =	vld [tilespmem:s6+$0xAC00];
	v4 =	vadd.f32 v16, v4;
	v10 =	vmul.f32 v10, v0;
	v17 =	vor.u32 $0x580, v17  }
0x150: {  	v16 =	vld [tilespmem:s6+$0xAC10];
	v27 =	vmov s10;
	v5 =	vadd.f32 v12, v5;
	v17 =	vbroadcast v17, $0x0  }
0x151: {  	v9 =	vmul.f32 v9, v0;
	v12 =	vld [tilespmem:s6+$0xAC20];
	v27 =	vand.u32 $0x3F, v27;
	v11 =	vmul.f32 v11, v0  }
0x152: {  	v27 =	vor.u32 $0x780, v27;
	v1 =	vadd.f32 v10, v1;
	v0 =	vmul.f32 v13, v0;
	v13 =	vld [tilespmem:s6+$0xAC30]  }
0x153: {  	v27 =	vbroadcast v27, $0x0;
	v3 =	vadd.f32 v11, v3;
	v11 =	vld [tilespmem:s6+$0xAC50];
	v10 =	vmul.f32 v18, v14  }
0x154: {  	v2 =	vadd.f32 v9, v2;
	v18 =	vld [tilespmem:s6+$0xAC40];
	v9 =	vmul.f32 v19, v14  }
0x155: {  	v6 =	vadd.f32 v0, v6;
	v0 =	vmul.f32 v20, v14;
	v8 =	vadd.f32 v10, v8;
	v10 =	vld [tilespmem:s6+$0xAC60]  }
0x156: {  	v7 =	vadd.f32 v9, v7;
	v9 =	vmul.f32 v21, v14;
	v17 =	vld.idx.msk [tilespmem:v17+s3+$0x0], $0xffff;
	_ =	swait.ge [sflag:s22], $0x2000  }
0x157: {  	v4 =	vadd.f32 v0, v4;
	v0 =	vmul.f32 v23, v14;
	[sflag:s22] =	ssyncset.done $0x0  }
0x158: {  	s11 =	simm.s32 $0x1;
	v19 =	vmul.f32 v22, v14;
	v5 =	vadd.f32 v9, v5;
	v9 =	vmul.f32 v25, v14;
	[sflag:s22] =	ssyncadd.s32 $0xFFFFE000  }
0x159: {  	s12 =	simm.s32 $0xC40;
	v59 =	vmul.f32 v24, v14;
	v2 =	vadd.f32 v0, v2;
	v14 =	vmov s11;
	v0 =	vld.idx.msk [tilespmem:v27+s3+$0x0], $0xffff  }
0x15a: {  	v60 =	vadd.f32 v9, v6;
	v6 =	vand.u32 $0x3F, v14;
	v14 =	vld [tilespmem:s12+$0x30]  }
0x15b: {  	v1 =	vadd.f32 v19, v1;
	v3 =	vadd.f32 v59, v3;
	v62 =	vld [tilespmem:s12+$0xFFFFFFD0];
	v19 =	vmul.f32 v26, v17  }
0x15c: {  	v6 =	vor.u32 $0x780, v6;
	v9 =	vmul.f32 v15, v17;
	v15 =	vmul.f32 v16, v17;
	v16 =	vld [tilespmem:s12+$0xFFFFFFC0]  }
0x15d: {  	v61 =	vbroadcast v6, $0x0;
	v19 =	vadd.f32 v19, v8;
	v8 =	vmul.f32 v12, v17  }
0x15e: {  	v63 =	vadd.f32 v9, v7;
	v9 =	vadd.f32 v15, v4;
	v4 =	vmul.f32 v13, v17;
	v15 =	vld [tilespmem:s12+$0xFFFFFFE0]  }
0x15f: {  	v11 =	vmul.f32 v11, v17;
	v13 =	vld [tilespmem:s12+$0xFFFFFFF0];
	v6 =	vadd.f32 v8, v5;
	v5 =	vmul.f32 v18, v17  }
0x160: {  	v7 =	vadd.f32 v4, v1;
	v1 =	vmul.f32 v10, v17;
	v10 =	vld [tilespmem:s12+$0x0];
	v17 =	vmul.f32 v14, v0  }
0x161: {  	s13 =	simm.s32 $0x2;
	v12 =	vld [tilespmem:s12+$0x10];
	v4 =	vadd.f32 v11, v3;
	v14 =	vmul.f32 v62, v0;
	v3 =	vmul.f32 v16, v0  }
0x162: {  	v11 =	vld [tilespmem:s12+$0x20];
	v16 =	vmov s13;
	v8 =	vadd.f32 v5, v2;
	v1 =	vadd.f32 v1, v60  }
0x163: {  	s7 =	simm.s32 $0x3;
	s6 =	simm.s32 $0xCC0;
	v2 =	vadd.f32 v17, v19;
	v5 =	vld.idx.msk [tilespmem:v61+s3+$0x0], $0xffff;
	v3 =	vadd.f32 v3, v63;
	v15 =	vmul.f32 v15, v0  }
.LBB2_16:
0x164: {  	p0 =	sne.s32 s7, $0x3F;
	v16 =	vand.u32 $0x3F, v16;
	v17 =	vld [tilespmem:s6+$0x30];
	v9 =	vadd.f32 v14, v9;
	v13 =	vmul.f32 v13, v0  }
0x165: {  	v14 =	vor.u32 $0x780, v16;
	v16 =	vld [tilespmem:s6+$0xFFFFFFC0];
	v6 =	vadd.f32 v15, v6;
	v10 =	vmul.f32 v10, v0  }
0x166: {  	v15 =	vbroadcast v14, $0x0;
	v14 =	vld [tilespmem:s6+$0xFFFFFFD0];
	v7 =	vadd.f32 v13, v7;
	v12 =	vmul.f32 v12, v0  }
0x167: {  	v18 =	vld [tilespmem:s6+$0xFFFFFFE0];
	v8 =	vadd.f32 v10, v8;
	v11 =	vmul.f32 v11, v0  }
.Ltmp7:
0x168: {  	v13 =	vld [tilespmem:s6+$0xFFFFFFF0];
	v4 =	vadd.f32 v12, v4;
	(pc) =	sbr.rel @p0 .LBB2_16-.Ltmp7, $4  }
0x169: {  	v0 =	vmov v5;
	v10 =	vld [tilespmem:s6+$0x0];
	v17 =	vmul.f32 v17, v5;
	v1 =	vadd.f32 v11, v1  }
0x16a: {  	v19 =	vmul.f32 v16, v0;
	v12 =	vld [tilespmem:s6+$0x10]  }
0x16b: {  	v14 =	vmul.f32 v14, v0;
	v11 =	vld [tilespmem:s6+$0x20];
	v2 =	vadd.f32 v17, v2  }
0x16c: {  	v16 =	vmov s7;
	s7 =	sadd.s32 $0x1, s7;
	s6 =	sadd.s32 $0x80, s6;
	v5 =	vld.idx.msk [tilespmem:v15+s3+$0x0], $0xffff;
	v3 =	vadd.f32 v19, v3;
	v15 =	vmul.f32 v18, v0  }
0x16d: {  	v17 =	vld [tilespmem:s6+$0x30]  }
0x16e: {  	v18 =	vld [tilespmem:s6+$0xFFFFFFC0]  }
0x16f: {  	v16 =	vand.u32 $0x3F, v16;
	v19 =	vld [tilespmem:s6+$0xFFFFFFD0]  }
0x170: {  	v20 =	vld [tilespmem:s6+$0xFFFFFFE0];
	v16 =	vor.u32 $0x780, v16  }
0x171: {  	v21 =	vld [tilespmem:s6+$0xFFFFFFF0];
	v16 =	vbroadcast v16, $0x0  }
0x172: {  	v22 =	vld [tilespmem:s6+$0x0];
	s7 =	simm.s32 $0x0  }
0x173: {  	v23 =	vld [tilespmem:s6+$0x10];
	v9 =	vadd.f32 v14, v9;
	v13 =	vmul.f32 v13, v0;
	v26 =	vmov s7  }
0x174: {  	v24 =	vld [tilespmem:s6+$0x20];
	s11 =	sadd.s32 $0x80, s6;
	v6 =	vadd.f32 v15, v6;
	v26 =	vadd.s32 $0x1C0, v26;
	v12 =	vmul.f32 v12, v0  }
0x175: {  	v25 =	vld [tilespmem:s11+$0x30];
	v10 =	vmul.f32 v10, v0;
	v26 =	vand.u32 $0x7F, v26;
	v0 =	vmul.f32 v11, v0  }
0x176: {  	v14 =	vld [tilespmem:s11+$0xFFFFFFC0];
	v11 =	vor.u32 $0x780, v26;
	v4 =	vadd.f32 v12, v4;
	v12 =	vmul.f32 v17, v5  }
0x177: {  	v7 =	vadd.f32 v13, v7;
	v11 =	vbroadcast v11, $0x0;
	v0 =	vadd.f32 v0, v1;
	v16 =	vld.idx.msk [tilespmem:v16+s3+$0x0], $0xffff  }
0x178: {  	v15 =	vld [tilespmem:s11+$0xFFFFFFD0];
	v1 =	vmul.f32 v18, v5;
	v2 =	vadd.f32 v12, v2;
	v12 =	vmul.f32 v20, v5  }
0x179: {  	v8 =	vadd.f32 v10, v8;
	v10 =	vld [tilespmem:s11+$0xFFFFFFF0];
	v18 =	vmul.f32 v19, v5;
	v61 =	vmul.f32 v21, v5  }
0x17a: {  	v62 =	vld [tilespmem:s11+$0x20];
	v3 =	vadd.f32 v1, v3;
	v6 =	vadd.f32 v12, v6;
	v12 =	vmul.f32 v23, v5  }
0x17b: {  	v19 =	vld [tilespmem:s11+$0x10];
	v9 =	vadd.f32 v18, v9;
	v1 =	vmul.f32 v22, v5;
	v7 =	vadd.f32 v61, v7  }
0x17c: {  	v13 =	vld [tilespmem:s11+$0xFFFFFFE0];
	v5 =	vmul.f32 v24, v5;
	v12 =	vadd.f32 v12, v4;
	v4 =	vmul.f32 v14, v16  }
0x17d: {  	v17 =	vld [tilespmem:s11+$0x0];
	_ =	swait.ge [sflag:s24], $0x2000;
	v8 =	vadd.f32 v1, v8;
	v18 =	vmul.f32 v25, v16;
	v14 =	vmul.f32 v15, v16  }
0x17e: {  	s12 =	simm.s32 $0x1;
	[sflag:s24] =	ssyncset.done $0x0;
	v0 =	vadd.f32 v5, v0;
	v5 =	vadd.f32 v4, v3;
	v4 =	vmul.f32 v10, v16  }
0x17f: {  	[sflag:s24] =	ssyncadd.s32 $0xFFFFE000;
	v18 =	vadd.f32 v18, v2;
	v2 =	vadd.f32 v14, v9;
	v9 =	vmov s12  }
0x180: {  	s6 =	simm.s32 $0x2C70;
	v1 =	vld.idx.msk [tilespmem:v11+s3+$0x0], $0xffff;
	v9 =	vadd.s32 $0x1C0, v9;
	v4 =	vadd.f32 v4, v7;
	v7 =	vmul.f32 v19, v16  }
0x181: {  	v11 =	vmul.f32 v13, v16;
	v13 =	vld [tilespmem:s6+$0x0];
	v9 =	vand.u32 $0x7F, v9  }
0x182: {  	v15 =	vld [tilespmem:s6+$0xFFFFFF90];
	v7 =	vadd.f32 v7, v12;
	v12 =	vor.u32 $0x780, v9  }
0x183: {  	v63 =	vld [tilespmem:s6+$0xFFFFFFA0];
	v14 =	vbroadcast v12, $0x0  }
0x184: {  	v3 =	vadd.f32 v11, v6;
	v6 =	vmul.f32 v17, v16;
	v10 =	vld [tilespmem:s6+$0xFFFFFFB0]  }
0x185: {  	v11 =	vld [tilespmem:s6+$0xFFFFFFC0]  }
0x186: {  	s13 =	simm.s32 $0x2;
	v6 =	vadd.f32 v6, v8;
	v8 =	vmul.f32 v62, v16;
	v19 =	vmul.f32 v13, v1;
	v9 =	vld [tilespmem:s6+$0xFFFFFFD0]  }
0x187: {  	v17 =	vmov s13;
	v16 =	vmul.f32 v15, v1;
	v12 =	vld [tilespmem:s6+$0xFFFFFFE0]  }
0x188: {  	s7 =	simm.s32 $0x3;
	v15 =	vmul.f32 v63, v1;
	v13 =	vld [tilespmem:s6+$0xFFFFFFF0];
	v8 =	vadd.f32 v8, v0;
	v0 =	vadd.f32 v19, v18  }
.LBB2_18:
0x189: {  	p0 =	sne.s32 s7, $0x3F;
	v17 =	vadd.s32 $0x1C0, v17;
	v18 =	vld.idx.msk [tilespmem:v14+s3+$0x0], $0xffff;
	v5 =	vadd.f32 v16, v5;
	v10 =	vmul.f32 v10, v1;
	s6 =	sadd.s32 $0x80, s6  }
0x18a: {  	v14 =	vand.u32 $0x7F, v17;
	v16 =	vld [tilespmem:s6+$0x0];
	v2 =	vadd.f32 v15, v2;
	v11 =	vmul.f32 v11, v1  }
0x18b: {  	v14 =	vor.u32 $0x780, v14;
	v15 =	vld [tilespmem:s6+$0xFFFFFF90];
	v3 =	vadd.f32 v10, v3;
	v9 =	vmul.f32 v9, v1  }
0x18c: {  	v14 =	vbroadcast v14, $0x0;
	v19 =	vld [tilespmem:s6+$0xFFFFFFA0];
	v4 =	vadd.f32 v11, v4;
	v12 =	vmul.f32 v12, v1  }
.Ltmp8:
0x18d: {  	v10 =	vld [tilespmem:s6+$0xFFFFFFB0];
	v6 =	vadd.f32 v9, v6;
	v13 =	vmul.f32 v13, v1;
	(pc) =	sbr.rel @p0 .LBB2_18-.Ltmp8, $4  }
0x18e: {  	v11 =	vld [tilespmem:s6+$0xFFFFFFC0];
	v7 =	vadd.f32 v12, v7  }
0x18f: {  	v1 =	vmov v18;
	v9 =	vld [tilespmem:s6+$0xFFFFFFD0];
	v20 =	vmul.f32 v16, v18;
	v8 =	vadd.f32 v13, v8  }
0x190: {  	v16 =	vmul.f32 v15, v1;
	v12 =	vld [tilespmem:s6+$0xFFFFFFE0]  }
0x191: {  	v17 =	vmov s7;
	s7 =	sadd.s32 $0x1, s7;
	v15 =	vmul.f32 v19, v1;
	v13 =	vld [tilespmem:s6+$0xFFFFFFF0];
	v0 =	vadd.f32 v20, v0  }
0x192: {  	_ =	sdelay $0x3  }
0x193: {  	v14 =	vld.idx.msk [tilespmem:v14+s3+$0x0], $0xffff;
	s6 =	sadd.s32 $0x80, s6  }
0x194: {  	v17 =	vadd.s32 $0x1C0, v17;
	v18 =	vld [tilespmem:s6+$0x0]  }
0x195: {  	v17 =	vand.u32 $0x7F, v17;
	v19 =	vld [tilespmem:s6+$0xFFFFFF90]  }
0x196: {  	v20 =	vld [tilespmem:s6+$0xFFFFFFA0];
	v17 =	vor.u32 $0x780, v17  }
0x197: {  	v21 =	vld [tilespmem:s6+$0xFFFFFFB0];
	v17 =	vbroadcast v17, $0x0  }
0x198: {  	v22 =	vld [tilespmem:s6+$0xFFFFFFC0]  }
0x199: {  	v23 =	vld [tilespmem:s6+$0xFFFFFFD0]  }
0x19a: {  	v24 =	vld [tilespmem:s6+$0xFFFFFFE0]  }
0x19b: {  	v10 =	vmul.f32 v10, v1;
	v25 =	vld [tilespmem:s6+$0xFFFFFFF0];
	s6 =	sadd.s32 $0x80, s6  }
0x19c: {  	v5 =	vadd.f32 v16, v5;
	v11 =	vmul.f32 v11, v1;
	v40 =	vld [tilespmem:s6+$0xFFFFFF90]  }
0x19d: {  	v2 =	vadd.f32 v15, v2;
	v9 =	vmul.f32 v9, v1;
	v3 =	vadd.f32 v10, v3;
	v39 =	vld.idx.msk [tilespmem:v17+s3+$0x0], $0xffff  }
0x19e: {  	v42 =	vld [tilespmem:s6+$0xFFFFFFA0];
	v12 =	vmul.f32 v12, v1;
	v4 =	vadd.f32 v11, v4;
	v41 =	vmul.f32 v13, v1  }
0x19f: {  	v44 =	vld [tilespmem:s6+$0xFFFFFFB0];
	v6 =	vadd.f32 v9, v6;
	v43 =	vmul.f32 v19, v14;
	v45 =	vmul.f32 v20, v14  }
0x1a0: {  	v47 =	vld [tilespmem:s6+$0xFFFFFFC0];
	v7 =	vadd.f32 v12, v7;
	v46 =	vmul.f32 v21, v14;
	v48 =	vmul.f32 v22, v14  }
0x1a1: {  	v50 =	vld [tilespmem:s6+$0xFFFFFFD0];
	v1 =	vadd.f32 v41, v8;
	v49 =	vmul.f32 v23, v14;
	v55 =	vmul.f32 v18, v14  }
0x1a2: {  	v54 =	vld [tilespmem:s6+$0xFFFFFFF0];
	v57 =	vmul.f32 v24, v14;
	v5 =	vadd.f32 v43, v5;
	v51 =	vmul.f32 v40, v39  }
0x1a3: {  	v56 =	vld [tilespmem:s6+$0x0];
	v14 =	vmul.f32 v25, v14;
	v2 =	vadd.f32 v45, v2;
	v53 =	vmul.f32 v42, v39  }
0x1a4: {  	v52 =	vld [tilespmem:s6+$0xFFFFFFE0];
	v3 =	vadd.f32 v46, v3;
	v11 =	vmul.f32 v44, v39;
	v5 =	vadd.f32 v51, v5  }
0x1a5: {  	v4 =	vadd.f32 v48, v4;
	v13 =	vmul.f32 v47, v39;
	v2 =	vadd.f32 v53, v2  }
0x1a6: {  	v6 =	vadd.f32 v49, v6;
	v58 =	vmul.f32 v50, v39;
	v3 =	vadd.f32 v11, v3;
	[tilespmem:$0xCC00] =	vst v5  }
0x1a7: {  	v1 =	vadd.f32 v14, v1;
	v62 =	vmul.f32 v54, v39;
	v4 =	vadd.f32 v13, v4;
	[tilespmem:$0xCC10] =	vst v2  }
0x1a8: {  	v0 =	vadd.f32 v55, v0;
	v63 =	vmul.f32 v56, v39;
	v61 =	vadd.f32 v58, v6;
	[tilespmem:$0xCC20] =	vst v3  }
0x1a9: {  	v59 =	vadd.f32 v57, v7;
	v60 =	vmul.f32 v52, v39;
	v1 =	vadd.f32 v62, v1;
	[tilespmem:$0xCC30] =	vst v4  }
0x1aa: {  	v0 =	vadd.f32 v63, v0;
	[tilespmem:$0xCC40] =	vst v61  }
0x1ab: {  	v5 =	vadd.f32 v60, v59;
	[tilespmem:$0xCC60] =	vst v1  }
0x1ac: {  	[tilespmem:$0xCC70] =	vst v0  }
0x1ad: {  	s12 =	rddreg [dreg:$0x7];
	s7 =	simm.s32 $0xCC00;
	[tilespmem:$0xCC50] =	vst v5  }
0x1ae: {  	[hbm4b:s12+s3] =	stream.linear.scatter [tilespmem:s7], [sflag:$0x8], $0x80, $0x38;
	[tilespmem:$0xCC80] =	vst v63  }
0x1af: {  	_ =	swait.ge [sflag:s25], $0x80  }
0x1b0: {  	s5 =	sadd.s32 $0x1, s5;
	s13 =	rddreg [dreg:$0x8]  }
0x1b1: {  	p0 =	sne.s32 s5, s13  }
.Ltmp9:
0x1b2: {  	_ = 	snop;
	(pc) =	sbr.rel @p0 .LBB2_1-.Ltmp9, $3  }
0x1b3: {  	_ =	sdelay $0x1  }
0x1b4: {  	[sflag:s25] =	ssyncset.done $0x0  }
0x1b5: {  	[sflag:s25] =	ssyncadd.s32 $0xFFFFFF80  }
0x1b6: {  	_ =	sfence.sel $0x180000  }
0x1b7: {  	[bflag:$0x0] =	sbarrier.arrive $0xFFFF  }
0x1b8: {  	_ =	strace $0x90000047  }
0x1b9: {  	s0 =	stileid.u32;
	[bflag:$0x2] =	sbarrier.arrive $0xFFFF  }
0x1ba: {  	p0 =	sne.s32 s0, $0x0;
	s0 =	rddreg [dreg:$0x3]  }
0x1bb: {  	s0 =	sadd.s32 @!p0 $0x100000, s0  }
0x1bc: {  	[sflag:s0] =	ssyncadd.tile.s32 @!p0 $0x1;
	_ =	shalt  }
.Lfunc_end2:
_tile_overlayer_lowered:
.L_overlay_start_2:
0x1bd: {  	(tag) =	ssettag $0x2  }
0x1be: {  	s0 =	rddreg [dreg:$0x0];
	s2 =	stileid.u32  }
0x1bf: {  	s1 =	rddreg [dreg:$0x1];
	p0 =	sne.s32 s2, $0x0  }
0x1c0: {  	s3 =	rddreg [dreg:$0x2];
	[bflag:$0x3] =	sbarrier.arrive $0xFFFF;
	s2 =	simm.s32 @!p0 $0x1C08  }
0x1c1: {  	[timem:s3], [sflag:s2] =	dma.local @!p0 [hbm:s0], s1  }
0x1c2: {  	s0 =	simm.s32 @!p0 $0x8  }
0x1c3: {  	_ =	swait.ge @!p0 [sflag:s0], s1  }
0x1c4: {  	s1 =	ssub.s32 @!p0 $0x0, s1;
	[sflag:s0] =	ssyncset.done @!p0 $0x0  }
0x1c5: {  	[sflag:s0] =	ssyncadd.s32 @!p0 s1  }
0x1c6: {  	[bflag:$0x3] =	sbarrier.arrive $0xFFFF  }
0x1c7: {  	_ =	shalt  }

</sc_bundles>
